<compile_context>
chip_gen: v7x
topology: tpu7x:2x2x1
jax: 0.10.2.dev20260603
libtpu: 0.0.44.dev20260713+nightly
codegen_flags: <defaults>
</compile_context>

<pallas_src>
import functools

import jax
import jax.numpy as jnp
from jax import lax
from jax.experimental import pallas as pl
from jax.experimental.pallas import tpu as pltpu
from jax.experimental.pallas import tpu_sc as plsc

B, V, C, H, W = 2, 8, 64, 128, 128
HW = H * W
N = V * HW
A = 512
AA = A * A
SENT = 1 << 30

K = 16
R = AA // K
RT = R + 128
TRASH = R
PPS = N // 16
GROUPS = PPS // 16
FLUSH = 128
LCAP = PPS + FLUSH
ZROWS = RT // 16

T = 2048
S = 2048


def _prep_body(w_ref, feat_ref, u_ref, v_ref, m_ref, vals_ref, idx_ref):
    w = w_ref[pl.program_id(0) * V + pl.program_id(1)]
    u = u_ref[0, 0]
    v = v_ref[0, 0]
    finite = (jnp.abs(u) < jnp.inf) & (jnp.abs(v) < jnp.inf)
    valid = (m_ref[0, 0] > 0.5) & finite & (w > 0.0)
    uu = jnp.clip(jnp.where(jnp.isnan(u), 0.0, u), 0.0, 1.0)
    vv = jnp.clip(jnp.where(jnp.isnan(v), 0.0, v), 0.0, 1.0)
    x = jnp.round(uu * (A - 1.0)).astype(jnp.int32)
    y = jnp.round((1.0 - vv) * (A - 1.0)).astype(jnp.int32)
    idx_ref[0, 0] = jnp.where(valid, y * A + x, SENT)
    vals_ref[0, 0] = jnp.transpose(feat_ref[0, 0] * w)


def _uvm_spec():
    return pl.BlockSpec((1, 1, T), lambda b, vi, t: (b * V + vi, 0, t))


def _prep_call(feat, u, v, m, w):
    w = w.reshape(B * V)
    return pl.pallas_call(
        _prep_body,
        grid=(B, V, HW // T),
        in_specs=[
            pl.BlockSpec(memory_space=pltpu.SMEM),
            pl.BlockSpec((1, 1, C, T), lambda b, vi, t: (b, vi, 0, t)),
            _uvm_spec(),
            _uvm_spec(),
            _uvm_spec(),
        ],
        out_specs=[
            pl.BlockSpec((1, 1, T, C), lambda b, vi, t: (b, vi, t, 0)),
            _uvm_spec(),
        ],
        out_shape=[
            jax.ShapeDtypeStruct((B, V, HW, C), jnp.float32),
            jax.ShapeDtypeStruct((B * V, 1, HW), jnp.int32),
        ],
        compiler_params=pltpu.CompilerParams(
            dimension_semantics=("parallel", "parallel", "parallel")),
    )(w, feat, u, v, m)


NBUF = 3


def _sc_body(vals_hbm, idx_hbm, w_hbm, z2_hbm, z1_hbm, acc_out, cnt_out,
             accum, counts, idxb, tgtl, srcl, tgt2big, cvalb,
             rowsb, wv,
             semg0, semg1, semg2, sems0, sems1, sems2,
             semc, semz):
    semg = (semg0, semg1, semg2)
    sems = (sems0, sems1, sems2)
    cid = lax.axis_index("c")
    sid = lax.axis_index("s")
    b = cid

    pltpu.sync_copy(w_hbm, wv)
    wlane = plsc.load_gather(wv, [jnp.full((16,), b * V + sid // 2,
                                           jnp.int32)])

    def _cv(i, _):
        cvalb[pl.ds(i * 16, 16)] = wlane
        return 0
    lax.fori_loop(0, FLUSH // 16, _cv, 0)

    ptb = b * N + sid * PPS
    pltpu.sync_copy(idx_hbm.at[pl.ds(ptb, PPS)], idxb)

    tpad = jnp.full((16,), TRASH, jnp.int32)
    spad = jnp.zeros((16,), jnp.int32)

    def _issue(i, t):
        pltpu.async_copy(vals_hbm.at[srcl.at[pl.ds(i * FLUSH, FLUSH)]],
                         rowsb.at[t], semg[t])

    def _wait_gather(t):
        pltpu.make_async_copy(vals_hbm.at[pl.ds(0, FLUSH), :],
                              rowsb.at[t], semg[t]).wait()

    def _wait_scatter(t):
        pltpu.make_async_copy(rowsb.at[t], accum.at[tgt2big.at[0]],
                              sems[t]).wait()

    def job(p, _):
        lo = p * R
        row0 = sid * ZROWS
        zd = [pltpu.async_copy(z2_hbm, accum.at[pl.ds(row0, ZROWS), :],
                               semz),
              pltpu.async_copy(z1_hbm, counts.at[pl.ds(row0, ZROWS)],
                               semz)]

        def group(g, cnt):
            vec = idxb[pl.ds(g * 16, 16)]
            mk = (vec >= lo) & (vec < lo + R)
            plsc.store_compressed(tgtl.at[pl.ds(cnt, 16)], vec - lo,
                                  mask=mk)
            srcv = ptb + g * 16 + lax.iota(jnp.int32, 16)
            plsc.store_compressed(srcl.at[pl.ds(cnt, 16)], srcv, mask=mk)
            return cnt + jnp.sum(mk.astype(jnp.int32))

        cnt = lax.fori_loop(0, GROUPS, group, jnp.int32(0))

        def _padl(j, _):
            tgtl[pl.ds(cnt + j * 16, 16)] = tpad
            srcl[pl.ds(cnt + j * 16, 16)] = spad
            return 0
        lax.fori_loop(0, FLUSH // 16, _padl, 0)

        nch = (cnt + FLUSH - 1) // FLUSH
        for d in zd:
            d.wait()
        plsc.subcore_barrier()

        for t in range(NBUF):
            @pl.when(t < nch)
            def _(t=t):
                _issue(t, t)

        def quad(j, _):
            base = NBUF * j
            for t in range(NBUF):
                @pl.when(base + t < nch)
                def _(t=t):
                    i = base + t
                    _wait_gather(t)

                    def _stg(j2, _):
                        tgt2big[i, pl.ds(j2 * 16, 16)] = (
                            tgtl[pl.ds(i * FLUSH + j2 * 16, 16)])
                        return 0
                    lax.fori_loop(0, FLUSH // 16, _stg, 0)
                    pltpu.sync_copy(rowsb.at[t], accum.at[tgt2big.at[i]],
                                    add=True)
                    pltpu.sync_copy(cvalb, counts.at[tgt2big.at[i]],
                                    add=True)
            for t in range(NBUF):
                @pl.when(base + t + NBUF < nch)
                def _(t=t):
                    _issue(base + t + NBUF, t)
            return 0

        lax.fori_loop(0, (nch + NBUF - 1) // NBUF, quad, 0)

        plsc.subcore_barrier()
        o0 = sid * (R // 16)
        pltpu.sync_copy(accum.at[pl.ds(o0, R // 16), :],
                        acc_out.at[b, pl.ds(lo + o0, R // 16), :])
        pltpu.sync_copy(counts.at[pl.ds(o0, R // 16)],
                        cnt_out.at[b, pl.ds(lo + o0, R // 16)])
        plsc.subcore_barrier()
        return 0

    lax.fori_loop(0, K, job, 0)


def _sc_call(vals, idx, wf):
    fn = pl.kernel(
        _sc_body,
        out_type=(
            jax.ShapeDtypeStruct((B, AA, C), jnp.float32),
            jax.ShapeDtypeStruct((B, AA), jnp.float32),
        ),
        mesh=plsc.VectorSubcoreMesh(core_axis_name="c",
                                    subcore_axis_name="s",
                                    num_cores=2, num_subcores=16),
        scratch_types=[
            pltpu.VMEM_SHARED((RT, C), jnp.float32),
            pltpu.VMEM_SHARED((RT,), jnp.float32),
            pltpu.VMEM((PPS,), jnp.int32),
            pltpu.VMEM((LCAP,), jnp.int32),
            pltpu.VMEM((LCAP,), jnp.int32),
            pltpu.VMEM((LCAP // FLUSH, FLUSH), jnp.int32),
            pltpu.VMEM((FLUSH,), jnp.float32),
            pltpu.VMEM((NBUF, FLUSH, C), jnp.float32),
            pltpu.VMEM((16,), jnp.float32),
        ] + [pltpu.SemaphoreType.DMA] * 8,
        compiler_params=pltpu.CompilerParams(needs_layout_passes=False,
                                             use_tc_tiling_on_sc=False),
    )
    return fn(vals, idx, wf,
              jnp.zeros((ZROWS, C), jnp.float32),
              jnp.zeros((ZROWS,), jnp.float32))


def _fin_body(acc_ref, cnt_ref, fused_ref, val_ref):
    c = cnt_ref[0, 0]
    acc_t = jnp.transpose(acc_ref[0])
    fused_ref[0] = acc_t / jnp.maximum(c, 1.0)[None, :]
    val_ref[0, 0] = (c > 0.0).astype(jnp.float32)


def _fin_call(acc, cnt):
    return pl.pallas_call(
        _fin_body,
        grid=(B, AA // S),
        in_specs=[
            pl.BlockSpec((1, S, C), lambda b, s: (b, s, 0)),
            pl.BlockSpec((1, 1, S), lambda b, s: (b, 0, s)),
        ],
        out_specs=[
            pl.BlockSpec((1, C, S), lambda b, s: (b, 0, s)),
            pl.BlockSpec((1, 1, S), lambda b, s: (b, 0, s)),
        ],
        out_shape=[
            jax.ShapeDtypeStruct((B, C, AA), jnp.float32),
            jax.ShapeDtypeStruct((B, 1, AA), jnp.float32),
        ],
        compiler_params=pltpu.CompilerParams(
            dimension_semantics=("parallel", "parallel")),
    )(acc, cnt.reshape(B, 1, AA))


def kernel(encoded_views, atlas_size, view_uvs, view_masks, view_importance):
    del atlas_size
    feat = encoded_views.reshape(B, V, C, HW)
    uv = view_uvs.reshape(B, V, HW, 2)
    u = uv[..., 0].reshape(B * V, 1, HW)
    v = uv[..., 1].reshape(B * V, 1, HW)
    m = view_masks.reshape(B * V, 1, HW)
    w = view_importance.astype(jnp.float32)

    vals, idx = _prep_call(feat, u, v, m, w)
    acc, cnt = _sc_call(vals.reshape(B * N, C), idx.reshape(B * N),
                        w.reshape(B * V))
    fused, validity = _fin_call(acc, cnt)
    return fused.reshape(B, C, A, A), validity.reshape(B, 1, A, A)

# --- scband reference (transcript-rebuilt; emitter-appended) ---
"""Pipeline reference for scband-uvfeature-fusion-15951508537412 (READ-ONLY COPY).

The authoritative reference and input builder live on the scoring server;
editing this copy changes nothing except your own understanding.
"""

import jax, jax.numpy as jnp
import numpy as np


def setup_inputs(seed: int = 0) -> dict:
    key = jax.random.key(seed)
    k1, k2, k3, k4 = jax.random.split(key, 4)
    B, V, C, H, W = 2, 8, 64, 128, 128
    A = 512
    return {
        "encoded_views": jax.random.normal(k1, (B, V, C, H, W), dtype=jnp.float32),
        "atlas_size": A,
        "view_uvs": jax.random.uniform(k2, (B, V, H, W, 2), dtype=jnp.float32),
        "view_masks": jax.random.uniform(k3, (B, V, 1, H, W), dtype=jnp.float32),
        "view_importance": jax.random.uniform(k4, (B, V), dtype=jnp.float32),
    }


def reference(encoded_views, atlas_size, view_uvs, view_masks, view_importance):
    B, V, C, H, W = encoded_views.shape
    A = 512
    Af = jnp.asarray(atlas_size).astype(encoded_views.dtype)
    Ai = jnp.asarray(atlas_size).astype(jnp.int32)
    HW = H * W
    uv = view_uvs.reshape(B, V, HW, 2)
    finite = jnp.all(jnp.isfinite(uv), axis=-1)                      # [B,V,HW]
    mask = view_masks[:, :, 0].reshape(B, V, HW) > 0.5               # [B,V,HW]
    # torch: view_importance is detached; views with weight <= 0 are skipped
    w_eff = jnp.where(view_importance > 0.0, view_importance, 0.0)   # [B,V]
    valid = (mask & finite).astype(encoded_views.dtype)              # [B,V,HW]
    wmap = valid * w_eff[:, :, None]                                 # [B,V,HW]
    u = jnp.clip(jnp.nan_to_num(uv[..., 0]), 0.0, 1.0)
    v = jnp.clip(jnp.nan_to_num(uv[..., 1]), 0.0, 1.0)
    x = jnp.round(u * (Af - 1.0)).astype(jnp.int32)
    y = jnp.round((1.0 - v) * (Af - 1.0)).astype(jnp.int32)
    idx = (y * Ai + x).reshape(B, V * HW)                            # [B, V*HW]
    feat = jnp.transpose(encoded_views, (0, 1, 3, 4, 2)).reshape(B, V, HW, C)
    vals = (feat * wmap[..., None]).reshape(B, V * HW, C)            # [B, V*HW, C]
    wv = wmap.reshape(B, V * HW)                                     # [B, V*HW]

    def per_batch(i, va, wvb):
        atlas_b = jnp.zeros((A * A, C), dtype=va.dtype).at[i].add(va)
        counts_b = jnp.zeros((A * A,), dtype=va.dtype).at[i].add(wvb)
        return atlas_b, counts_b

    atlas, counts = jax.vmap(per_batch)(idx, vals, wv)               # [B,A*A,C], [B,A*A]
    atlas = jnp.transpose(atlas, (0, 2, 1)).reshape(B, C, A, A)
    counts = counts.reshape(B, 1, A, A)
    fused = atlas / jnp.maximum(counts, 1.0)
    validity = (counts > 0).astype(fused.dtype)
    return fused, validity

if __name__ == "__main__":
    import jax
    _d = setup_inputs()
    print(jax.jit(kernel)(*tuple(_d.values())))

</pallas_src>

<mosaic_0001>
#map = affine_map<(d0, d1) -> (0, 0)>
#map1 = affine_map<(d0, d1) -> (0)>
#map2 = affine_map<(d0, d1) -> (0, 0, 0)>
module attributes {stable_mosaic.version = 14 : i64} {
  func.func @_sc_body(%arg0: i32, %arg1: i32, %arg2: memref<262144x64xf32, #tpu.memory_space<hbm>>, %arg3: memref<262144xi32, #tpu.memory_space<hbm>>, %arg4: memref<16xf32, #tpu.memory_space<hbm>>, %arg5: memref<1032x64xf32, #tpu.memory_space<hbm>>, %arg6: memref<1032xf32, #tpu.memory_space<hbm>>, %arg7: memref<2x262144x64xf32, #tpu.memory_space<hbm>>, %arg8: memref<2x262144xf32, #tpu.memory_space<hbm>>, %arg9: memref<16512x64xf32, #tpu.memory_space<vmem_shared>>, %arg10: memref<16512xf32, #tpu.memory_space<vmem_shared>>, %arg11: memref<8192xi32, #tpu.memory_space<vmem>>, %arg12: memref<8320xi32, #tpu.memory_space<vmem>>, %arg13: memref<8320xi32, #tpu.memory_space<vmem>>, %arg14: memref<65x128xi32, #tpu.memory_space<vmem>>, %arg15: memref<128xf32, #tpu.memory_space<vmem>>, %arg16: memref<3x128x64xf32, #tpu.memory_space<vmem>>, %arg17: memref<16xf32, #tpu.memory_space<vmem>>, %arg18: memref<!tpu.dma_semaphore, #tpu.memory_space<semaphore_mem>>, %arg19: memref<!tpu.dma_semaphore, #tpu.memory_space<semaphore_mem>>, %arg20: memref<!tpu.dma_semaphore, #tpu.memory_space<semaphore_mem>>, %arg21: memref<!tpu.dma_semaphore, #tpu.memory_space<semaphore_mem>>, %arg22: memref<!tpu.dma_semaphore, #tpu.memory_space<semaphore_mem>>, %arg23: memref<!tpu.dma_semaphore, #tpu.memory_space<semaphore_mem>>, %arg24: memref<!tpu.dma_semaphore, #tpu.memory_space<semaphore_mem>>, %arg25: memref<!tpu.dma_semaphore, #tpu.memory_space<semaphore_mem>>) attributes {dimension_semantics = [#tpu.dimension_semantics<core_parallel>, #tpu.dimension_semantics<subcore_parallel>], iteration_bounds = array<i64: 2, 16>, scalar_prefetch = 0 : i64, scratch_operands = 17 : i64, tpu.core_type = #tpu.core_type<sc_vector_subcore>, window_params = [{transform_indices = #map}, {transform_indices = #map1}, {transform_indices = #map1}, {transform_indices = #map}, {transform_indices = #map1}, {transform_indices = #map2}, {transform_indices = #map}]} {
    "tpu.region"() ({
      %run_scoped3A = tpu.sem_alloc : memref<!tpu.dma_semaphore, #tpu.memory_space<semaphore_mem>>
      tpu.enqueue_dma source(%arg4 : memref<16xf32, #tpu.memory_space<hbm>>) target(%arg17 : memref<16xf32, #tpu.memory_space<vmem>>) target_semaphore(%run_scoped3A : memref<!tpu.dma_semaphore, #tpu.memory_space<semaphore_mem>>)
      tpu.wait_dma2 semaphore(%run_scoped3A : memref<!tpu.dma_semaphore, #tpu.memory_space<semaphore_mem>>) src(%arg4 : memref<16xf32, #tpu.memory_space<hbm>>) dst(%arg17 : memref<16xf32, #tpu.memory_space<vmem>>)
      tpu.yield
    }) : () -> ()
    %mul3A = arith.constant 8 : i32
    %mul3A_0 = arith.muli %arg0, %mul3A : i32
    %jit3A = arith.constant 2 : i32
    %div3A = arith.divsi %arg1, %jit3A : i32
    %sign3A = arith.constant 0 : i32
    %sign3A_1 = arith.cmpi sgt, %arg1, %sign3A : i32
    %sign3A_2 = arith.extui %sign3A_1 : i1 to i32
    %sign3A_3 = arith.constant 0 : i32
    %sign3A_4 = arith.cmpi slt, %arg1, %sign3A_3 : i32
    %sign3A_5 = arith.extui %sign3A_4 : i1 to i32
    %sign3A_6 = arith.subi %sign3A_2, %sign3A_5 : i32
    %sign3A_7 = arith.constant 0 : i32
    %sign3A_8 = arith.cmpi sgt, %jit3A, %sign3A_7 : i32
    %sign3A_9 = arith.extui %sign3A_8 : i1 to i32
    %sign3A_10 = arith.constant 0 : i32
    %sign3A_11 = arith.cmpi slt, %jit3A, %sign3A_10 : i32
    %sign3A_12 = arith.extui %sign3A_11 : i1 to i32
    %sign3A_13 = arith.subi %sign3A_9, %sign3A_12 : i32
    %ne3A = arith.cmpi ne, %sign3A_6, %sign3A_13 : i32
    %rem3A = arith.remsi %arg1, %jit3A : i32
    %ne3A_14 = arith.constant 0 : i32
    %ne3A_15 = arith.cmpi ne, %rem3A, %ne3A_14 : i32
    %and3A = arith.andi %ne3A, %ne3A_15 : i1
    %sub3A = arith.constant 1 : i32
    %sub3A_16 = arith.subi %div3A, %sub3A : i32
    %select_n3A = arith.select %and3A, %sub3A_16, %div3A : i32
    %add3A = arith.addi %mul3A_0, %select_n3A : i32
    %broadcast_in_dim3A = vector.broadcast %add3A : i32 to vector<16xi32>
    %gather3A = tpu.vector_load_idx %arg17[%broadcast_in_dim3A] : memref<16xf32, #tpu.memory_space<vmem>>[vector<16xi32>], vector<16xf32>,
    %scan3A = arith.constant 0 : i32
    %scan3A_17 = arith.constant 0 : i32
    %scan3A_18 = arith.constant 8 : i32
    %scan3A_19 = arith.addi %scan3A_17, %scan3A_18 : i32
    %scan3A_20 = arith.constant 1 : i32
    %scan3A_21 = scf.for %scan3A_39 = %scan3A_17 to %scan3A_19 step %scan3A_20 iter_args(%scan3A_40 = %scan3A) -> (i32)  : i32 {
      %mul3A_41 = arith.constant 16 : i32
      %mul3A_42 = arith.muli %scan3A_39, %mul3A_41 : i32
      %swap3A = arith.index_cast %mul3A_42 : i32 to index
      %swap3A_43 = tpu.vector_load %arg15[%swap3A] {strides = array<i32>} : memref<128xf32, #tpu.memory_space<vmem>>, vector<16xf32>,
      tpu.vector_store %arg15[%swap3A], %gather3A {strides = array<i32>} : memref<128xf32, #tpu.memory_space<vmem>>, vector<16xf32>,
      %scan3A_44 = arith.constant 0 : i32
      scf.yield %scan3A_44 : i32
    }
    %scan3A_22 = arith.constant 8 : i32
    %mul3A_23 = arith.constant 131072 : i32
    %mul3A_24 = arith.muli %arg0, %mul3A_23 : i32
    %mul3A_25 = arith.constant 8192 : i32
    %mul3A_26 = arith.muli %arg1, %mul3A_25 : i32
    %add3A_27 = arith.addi %mul3A_24, %mul3A_26 : i32
    "tpu.region"() ({
      %run_scoped3A = tpu.sem_alloc : memref<!tpu.dma_semaphore, #tpu.memory_space<semaphore_mem>>
      %dma_start3A = tpu.memref_slice %arg3[%add3A_27] : memref<262144xi32, #tpu.memory_space<hbm>> -> memref<8192xi32, #tpu.memory_space<hbm>>
      %dma_start3A_39 = tpu.memref_slice %arg3[%add3A_27] : memref<262144xi32, #tpu.memory_space<hbm>> -> memref<8192xi32, #tpu.memory_space<hbm>>
      tpu.enqueue_dma source(%dma_start3A_39 : memref<8192xi32, #tpu.memory_space<hbm>>) target(%arg11 : memref<8192xi32, #tpu.memory_space<vmem>>) target_semaphore(%run_scoped3A : memref<!tpu.dma_semaphore, #tpu.memory_space<semaphore_mem>>)
      %dma_wait3A = tpu.memref_slice %arg3[%add3A_27] : memref<262144xi32, #tpu.memory_space<hbm>> -> memref<8192xi32, #tpu.memory_space<hbm>>
      %dma_wait3A_40 = tpu.memref_slice %arg3[%add3A_27] : memref<262144xi32, #tpu.memory_space<hbm>> -> memref<8192xi32, #tpu.memory_space<hbm>>
      tpu.wait_dma2 semaphore(%run_scoped3A : memref<!tpu.dma_semaphore, #tpu.memory_space<semaphore_mem>>) src(%dma_wait3A_40 : memref<8192xi32, #tpu.memory_space<hbm>>) dst(%arg11 : memref<8192xi32, #tpu.memory_space<vmem>>)
      tpu.yield
    }) : () -> ()
    %broadcast_in_dim3A_28 = arith.constant 16384 : i32
    %broadcast_in_dim3A_29 = vector.broadcast %broadcast_in_dim3A_28 : i32 to vector<16xi32>
    %broadcast_in_dim3A_30 = arith.constant 0 : i32
    %broadcast_in_dim3A_31 = vector.broadcast %broadcast_in_dim3A_30 : i32 to vector<16xi32>
    %scan3A_32 = arith.constant 0 : i32
    %scan3A_33 = arith.constant 0 : i32
    %scan3A_34 = arith.constant 16 : i32
    %scan3A_35 = arith.addi %scan3A_33, %scan3A_34 : i32
    %scan3A_36 = arith.constant 1 : i32
    %scan3A_37 = scf.for %scan3A_39 = %scan3A_33 to %scan3A_35 step %scan3A_36 iter_args(%scan3A_40 = %scan3A_32) -> (i32)  : i32 {
      %mul3A_41 = arith.constant 16384 : i32
      %mul3A_42 = arith.muli %scan3A_39, %mul3A_41 : i32
      %mul3A_43 = arith.constant 1032 : i32
      %mul3A_44 = arith.muli %arg1, %mul3A_43 : i32
      %dma_start3A = arith.constant 0 : i32
      %dma_start3A_45 = tpu.memref_slice %arg9[%mul3A_44, %dma_start3A] : memref<16512x64xf32, #tpu.memory_space<vmem_shared>> -> memref<1032x64xf32, #tpu.memory_space<vmem_shared>>
      tpu.enqueue_dma source(%arg5 : memref<1032x64xf32, #tpu.memory_space<hbm>>) target(%dma_start3A_45 : memref<1032x64xf32, #tpu.memory_space<vmem_shared>>) target_semaphore(%arg25 : memref<!tpu.dma_semaphore, #tpu.memory_space<semaphore_mem>>)
      %dma_start3A_46 = tpu.memref_slice %arg10[%mul3A_44] : memref<16512xf32, #tpu.memory_space<vmem_shared>> -> memref<1032xf32, #tpu.memory_space<vmem_shared>>
      tpu.enqueue_dma source(%arg6 : memref<1032xf32, #tpu.memory_space<hbm>>) target(%dma_start3A_46 : memref<1032xf32, #tpu.memory_space<vmem_shared>>) target_semaphore(%arg25 : memref<!tpu.dma_semaphore, #tpu.memory_space<semaphore_mem>>)
      %scan3A_47 = arith.constant 0 : i32
      %scan3A_48 = arith.constant 0 : i32
      %scan3A_49 = arith.constant 512 : i32
      %scan3A_50 = arith.addi %scan3A_48, %scan3A_49 : i32
      %scan3A_51 = arith.constant 1 : i32
      %scan3A_52 = scf.for %scan3A_149 = %scan3A_48 to %scan3A_50 step %scan3A_51 iter_args(%scan3A_150 = %scan3A_47) -> (i32)  : i32 {
        %mul3A_151 = arith.constant 16 : i32
        %mul3A_152 = arith.muli %scan3A_149, %mul3A_151 : i32
        %get3A = arith.index_cast %mul3A_152 : i32 to index
        %get3A_153 = tpu.vector_load %arg11[%get3A] {strides = array<i32>} : memref<8192xi32, #tpu.memory_space<vmem>>, vector<16xi32>,
        %ge3A = vector.broadcast %mul3A_42 : i32 to vector<16xi32>
        %ge3A_154 = arith.cmpi sge, %get3A_153, %ge3A : vector<16xi32>
        %add3A_155 = arith.constant 16384 : i32
        %add3A_156 = arith.addi %mul3A_42, %add3A_155 : i32
        %lt3A = vector.broadcast %add3A_156 : i32 to vector<16xi32>
        %lt3A_157 = arith.cmpi slt, %get3A_153, %lt3A : vector<16xi32>
        %and3A_158 = arith.andi %ge3A_154, %lt3A_157 : vector<16xi1>
        %sub3A_159 = vector.broadcast %mul3A_42 : i32 to vector<16xi32>
        %sub3A_160 = arith.subi %get3A_153, %sub3A_159 : vector<16xi32>
        %swap3A = arith.index_cast %scan3A_150 : i32 to index
        %swap3A_161 = tpu.vector_load %arg12[%swap3A] masked %and3A_158 {strides = array<i32>} : memref<8320xi32, #tpu.memory_space<vmem>>, vector<16xi32>, vector<16xi1>
        tpu.vector_store %arg12[%swap3A], %sub3A_160 masked %and3A_158 {strides = array<i32>} : memref<8320xi32, #tpu.memory_space<vmem>>, vector<16xi32>, vector<16xi1>
        %mul3A_162 = arith.constant 16 : i32
        %mul3A_163 = arith.muli %scan3A_149, %mul3A_162 : i32
        %add3A_164 = arith.addi %add3A_27, %mul3A_163 : i32
        %iota3A = tpu.iota {dimensions = array<i32: 0>} : vector<16xi32>
        %add3A_165 = vector.broadcast %add3A_164 : i32 to vector<16xi32>
        %add3A_166 = arith.addi %add3A_165, %iota3A : vector<16xi32>
        %swap3A_167 = arith.index_cast %scan3A_150 : i32 to index
        %swap3A_168 = tpu.vector_load %arg13[%swap3A_167] masked %and3A_158 {strides = array<i32>} : memref<8320xi32, #tpu.memory_space<vmem>>, vector<16xi32>, vector<16xi1>
        tpu.vector_store %arg13[%swap3A_167], %add3A_166 masked %and3A_158 {strides = array<i32>} : memref<8320xi32, #tpu.memory_space<vmem>>, vector<16xi32>, vector<16xi1>
        %convert_element_type3A_169 = arith.extui %and3A_158 : vector<16xi1> to vector<16xi32>
        %reduce_sum3A = arith.constant true
        %reduce_sum3A_170 = vector.broadcast %reduce_sum3A : i1 to vector<16xi1>
        %reduce_sum3A_171 = tpu.scan <sum>, %convert_element_type3A_169 masked %reduce_sum3A_170 : vector<16xi32>, vector<16xi1> -> vector<16xi32>
        %reduce_sum3A_172 = vector.extract %reduce_sum3A_171[15] : i32 from vector<16xi32>
        %add3A_173 = arith.addi %scan3A_150, %reduce_sum3A_172 : i32
        scf.yield %add3A_173 : i32
      }
      %scan3A_53 = arith.constant 512 : i32
      %scan3A_54 = arith.constant 0 : i32
      %scan3A_55 = arith.constant 0 : i32
      %scan3A_56 = arith.constant 8 : i32
      %scan3A_57 = arith.addi %scan3A_55, %scan3A_56 : i32
      %scan3A_58 = arith.constant 1 : i32
      %scan3A_59 = scf.for %scan3A_149 = %scan3A_55 to %scan3A_57 step %scan3A_58 iter_args(%scan3A_150 = %scan3A_54) -> (i32)  : i32 {
        %mul3A_151 = arith.constant 16 : i32
        %mul3A_152 = arith.muli %scan3A_149, %mul3A_151 : i32
        %add3A_153 = arith.addi %scan3A_52, %mul3A_152 : i32
        %swap3A = arith.index_cast %add3A_153 : i32 to index
        %swap3A_154 = tpu.vector_load %arg12[%swap3A] {strides = array<i32>} : memref<8320xi32, #tpu.memory_space<vmem>>, vector<16xi32>,
        tpu.vector_store %arg12[%swap3A], %broadcast_in_dim3A_29 {strides = array<i32>} : memref<8320xi32, #tpu.memory_space<vmem>>, vector<16xi32>,
        %mul3A_155 = arith.constant 16 : i32
        %mul3A_156 = arith.muli %scan3A_149, %mul3A_155 : i32
        %add3A_157 = arith.addi %scan3A_52, %mul3A_156 : i32
        %swap3A_158 = arith.index_cast %add3A_157 : i32 to index
        %swap3A_159 = tpu.vector_load %arg13[%swap3A_158] {strides = array<i32>} : memref<8320xi32, #tpu.memory_space<vmem>>, vector<16xi32>,
        tpu.vector_store %arg13[%swap3A_158], %broadcast_in_dim3A_31 {strides = array<i32>} : memref<8320xi32, #tpu.memory_space<vmem>>, vector<16xi32>,
        %scan3A_160 = arith.constant 0 : i32
        scf.yield %scan3A_160 : i32
      }
      %scan3A_60 = arith.constant 8 : i32
      %add3A_61 = arith.constant 128 : i32
      %add3A_62 = arith.addi %scan3A_52, %add3A_61 : i32
      %sub3A_63 = arith.constant 1 : i32
      %sub3A_64 = arith.subi %add3A_62, %sub3A_63 : i32
      %jit3A_65 = arith.constant 128 : i32
      %div3A_66 = arith.divsi %sub3A_64, %jit3A_65 : i32
      %sign3A_67 = arith.constant 0 : i32
      %sign3A_68 = arith.cmpi sgt, %sub3A_64, %sign3A_67 : i32
      %sign3A_69 = arith.extui %sign3A_68 : i1 to i32
      %sign3A_70 = arith.constant 0 : i32
      %sign3A_71 = arith.cmpi slt, %sub3A_64, %sign3A_70 : i32
      %sign3A_72 = arith.extui %sign3A_71 : i1 to i32
      %sign3A_73 = arith.subi %sign3A_69, %sign3A_72 : i32
      %sign3A_74 = arith.constant 0 : i32
      %sign3A_75 = arith.cmpi sgt, %jit3A_65, %sign3A_74 : i32
      %sign3A_76 = arith.extui %sign3A_75 : i1 to i32
      %sign3A_77 = arith.constant 0 : i32
      %sign3A_78 = arith.cmpi slt, %jit3A_65, %sign3A_77 : i32
      %sign3A_79 = arith.extui %sign3A_78 : i1 to i32
      %sign3A_80 = arith.subi %sign3A_76, %sign3A_79 : i32
      %ne3A_81 = arith.cmpi ne, %sign3A_73, %sign3A_80 : i32
      %rem3A_82 = arith.remsi %sub3A_64, %jit3A_65 : i32
      %ne3A_83 = arith.constant 0 : i32
      %ne3A_84 = arith.cmpi ne, %rem3A_82, %ne3A_83 : i32
      %and3A_85 = arith.andi %ne3A_81, %ne3A_84 : i1
      %sub3A_86 = arith.constant 1 : i32
      %sub3A_87 = arith.subi %div3A_66, %sub3A_86 : i32
      %select_n3A_88 = arith.select %and3A_85, %sub3A_87, %div3A_66 : i32
      %dma_wait3A = arith.constant 0 : i32
      %dma_wait3A_89 = tpu.memref_slice %arg9[%mul3A_44, %dma_wait3A] : memref<16512x64xf32, #tpu.memory_space<vmem_shared>> -> memref<1032x64xf32, #tpu.memory_space<vmem_shared>>
      tpu.wait_dma2 semaphore(%arg25 : memref<!tpu.dma_semaphore, #tpu.memory_space<semaphore_mem>>) src(%arg5 : memref<1032x64xf32, #tpu.memory_space<hbm>>) dst(%dma_wait3A_89 : memref<1032x64xf32, #tpu.memory_space<vmem_shared>>)
      %dma_wait3A_90 = tpu.memref_slice %arg10[%mul3A_44] : memref<16512xf32, #tpu.memory_space<vmem_shared>> -> memref<1032xf32, #tpu.memory_space<vmem_shared>>
      tpu.wait_dma2 semaphore(%arg25 : memref<!tpu.dma_semaphore, #tpu.memory_space<semaphore_mem>>) src(%arg6 : memref<1032xf32, #tpu.memory_space<hbm>>) dst(%dma_wait3A_90 : memref<1032xf32, #tpu.memory_space<vmem_shared>>)
      %barrier3A = arith.constant 0 : index
      tpu.barrier barrier_id(%barrier3A)
      %gt3A = arith.constant 0 : i32
      %gt3A_91 = arith.cmpi sgt, %select_n3A_88, %gt3A : i32
      %convert_element_type3A = arith.extui %gt3A_91 : i1 to i32
      %cond3A = arith.constant 0 : i32
      %cond3A_92 = arith.cmpi ne, %convert_element_type3A, %cond3A : i32
      scf.if %cond3A_92 {
        %dma_start3A_149 = arith.constant 0 : i32
        %dma_start3A_150 = arith.constant 0 : i32
        %dma_start3A_151 = arith.constant 0 : i32
        %dma_start3A_152 = tpu.memref_slice %arg16[%dma_start3A_149, %dma_start3A_150, %dma_start3A_151] : memref<3x128x64xf32, #tpu.memory_space<vmem>> -> memref<1x128x64xf32, #tpu.memory_space<vmem>>
        %dma_start3A_153 = tpu.memref_squeeze %dma_start3A_152 : memref<1x128x64xf32, #tpu.memory_space<vmem>> -> memref<128x64xf32, #tpu.memory_space<vmem>>
        %dma_start3A_154 = arith.constant 0 : i32
        %dma_start3A_155 = tpu.memref_slice %arg13[%dma_start3A_154] : memref<8320xi32, #tpu.memory_space<vmem>> -> memref<128xi32, #tpu.memory_space<vmem>>
        %dma_start3A_156 = arith.constant 0 : i32
        %dma_start3A_157 = arith.constant 0 : i32
        %dma_start3A_158 = tpu.memref_slice %arg2[%dma_start3A_156, %dma_start3A_157] : memref<262144x64xf32, #tpu.memory_space<hbm>> -> memref<262144x64xf32, #tpu.memory_space<hbm>>
        tpu.enqueue_indirect_dma source(%dma_start3A_158 : memref<262144x64xf32, #tpu.memory_space<hbm>>) target(%dma_start3A_153 : memref<128x64xf32, #tpu.memory_space<vmem>>) offsets(%dma_start3A_155 : memref<128xi32, #tpu.memory_space<vmem>>) semaphore(%arg18 : memref<!tpu.dma_semaphore, #tpu.memory_space<semaphore_mem>>)
      } else {
      }
      %gt3A_93 = arith.constant 1 : i32
      %gt3A_94 = arith.cmpi sgt, %select_n3A_88, %gt3A_93 : i32
      %convert_element_type3A_95 = arith.extui %gt3A_94 : i1 to i32
      %cond3A_96 = arith.constant 0 : i32
      %cond3A_97 = arith.cmpi ne, %convert_element_type3A_95, %cond3A_96 : i32
      scf.if %cond3A_97 {
        %dma_start3A_149 = arith.constant 1 : i32
        %dma_start3A_150 = arith.constant 0 : i32
        %dma_start3A_151 = arith.constant 0 : i32
        %dma_start3A_152 = tpu.memref_slice %arg16[%dma_start3A_149, %dma_start3A_150, %dma_start3A_151] : memref<3x128x64xf32, #tpu.memory_space<vmem>> -> memref<1x128x64xf32, #tpu.memory_space<vmem>>
        %dma_start3A_153 = tpu.memref_squeeze %dma_start3A_152 : memref<1x128x64xf32, #tpu.memory_space<vmem>> -> memref<128x64xf32, #tpu.memory_space<vmem>>
        %dma_start3A_154 = arith.constant 128 : i32
        %dma_start3A_155 = tpu.memref_slice %arg13[%dma_start3A_154] : memref<8320xi32, #tpu.memory_space<vmem>> -> memref<128xi32, #tpu.memory_space<vmem>>
        %dma_start3A_156 = arith.constant 0 : i32
        %dma_start3A_157 = arith.constant 0 : i32
        %dma_start3A_158 = tpu.memref_slice %arg2[%dma_start3A_156, %dma_start3A_157] : memref<262144x64xf32, #tpu.memory_space<hbm>> -> memref<262144x64xf32, #tpu.memory_space<hbm>>
        tpu.enqueue_indirect_dma source(%dma_start3A_158 : memref<262144x64xf32, #tpu.memory_space<hbm>>) target(%dma_start3A_153 : memref<128x64xf32, #tpu.memory_space<vmem>>) offsets(%dma_start3A_155 : memref<128xi32, #tpu.memory_space<vmem>>) semaphore(%arg19 : memref<!tpu.dma_semaphore, #tpu.memory_space<semaphore_mem>>)
      } else {
      }
      %gt3A_98 = arith.constant 2 : i32
      %gt3A_99 = arith.cmpi sgt, %select_n3A_88, %gt3A_98 : i32
      %convert_element_type3A_100 = arith.extui %gt3A_99 : i1 to i32
      %cond3A_101 = arith.constant 0 : i32
      %cond3A_102 = arith.cmpi ne, %convert_element_type3A_100, %cond3A_101 : i32
      scf.if %cond3A_102 {
        %dma_start3A_149 = arith.constant 2 : i32
        %dma_start3A_150 = arith.constant 0 : i32
        %dma_start3A_151 = arith.constant 0 : i32
        %dma_start3A_152 = tpu.memref_slice %arg16[%dma_start3A_149, %dma_start3A_150, %dma_start3A_151] : memref<3x128x64xf32, #tpu.memory_space<vmem>> -> memref<1x128x64xf32, #tpu.memory_space<vmem>>
        %dma_start3A_153 = tpu.memref_squeeze %dma_start3A_152 : memref<1x128x64xf32, #tpu.memory_space<vmem>> -> memref<128x64xf32, #tpu.memory_space<vmem>>
        %dma_start3A_154 = arith.constant 256 : i32
        %dma_start3A_155 = tpu.memref_slice %arg13[%dma_start3A_154] : memref<8320xi32, #tpu.memory_space<vmem>> -> memref<128xi32, #tpu.memory_space<vmem>>
        %dma_start3A_156 = arith.constant 0 : i32
        %dma_start3A_157 = arith.constant 0 : i32
        %dma_start3A_158 = tpu.memref_slice %arg2[%dma_start3A_156, %dma_start3A_157] : memref<262144x64xf32, #tpu.memory_space<hbm>> -> memref<262144x64xf32, #tpu.memory_space<hbm>>
        tpu.enqueue_indirect_dma source(%dma_start3A_158 : memref<262144x64xf32, #tpu.memory_space<hbm>>) target(%dma_start3A_153 : memref<128x64xf32, #tpu.memory_space<vmem>>) offsets(%dma_start3A_155 : memref<128xi32, #tpu.memory_space<vmem>>) semaphore(%arg20 : memref<!tpu.dma_semaphore, #tpu.memory_space<semaphore_mem>>)
      } else {
      }
      %add3A_103 = arith.constant 3 : i32
      %add3A_104 = arith.addi %select_n3A_88, %add3A_103 : i32
      %sub3A_105 = arith.constant 1 : i32
      %sub3A_106 = arith.subi %add3A_104, %sub3A_105 : i32
      %jit3A_107 = arith.constant 3 : i32
      %div3A_108 = arith.divsi %sub3A_106, %jit3A_107 : i32
      %sign3A_109 = arith.constant 0 : i32
      %sign3A_110 = arith.cmpi sgt, %sub3A_106, %sign3A_109 : i32
      %sign3A_111 = arith.extui %sign3A_110 : i1 to i32
      %sign3A_112 = arith.constant 0 : i32
      %sign3A_113 = arith.cmpi slt, %sub3A_106, %sign3A_112 : i32
      %sign3A_114 = arith.extui %sign3A_113 : i1 to i32
      %sign3A_115 = arith.subi %sign3A_111, %sign3A_114 : i32
      %sign3A_116 = arith.constant 0 : i32
      %sign3A_117 = arith.cmpi sgt, %jit3A_107, %sign3A_116 : i32
      %sign3A_118 = arith.extui %sign3A_117 : i1 to i32
      %sign3A_119 = arith.constant 0 : i32
      %sign3A_120 = arith.cmpi slt, %jit3A_107, %sign3A_119 : i32
      %sign3A_121 = arith.extui %sign3A_120 : i1 to i32
      %sign3A_122 = arith.subi %sign3A_118, %sign3A_121 : i32
      %ne3A_123 = arith.cmpi ne, %sign3A_115, %sign3A_122 : i32
      %rem3A_124 = arith.remsi %sub3A_106, %jit3A_107 : i32
      %ne3A_125 = arith.constant 0 : i32
      %ne3A_126 = arith.cmpi ne, %rem3A_124, %ne3A_125 : i32
      %and3A_127 = arith.andi %ne3A_123, %ne3A_126 : i1
      %sub3A_128 = arith.constant 1 : i32
      %sub3A_129 = arith.subi %div3A_108, %sub3A_128 : i32
      %select_n3A_130 = arith.select %and3A_127, %sub3A_129, %div3A_108 : i32
      %while3A = arith.constant 0 : i32
      %while3A_131 = arith.constant 0 : i32
      %while3A_132 = arith.subi %select_n3A_130, %while3A : i32
      %while3A_133 = arith.addi %while3A, %while3A_132 : i32
      %while3A_134 = arith.constant 1 : i32
      %while3A_135 = arith.divsi %while3A_132, %while3A_134 : i32
      %while3A_136 = arith.muli %while3A_135, %while3A_134 : i32
      %while3A_137 = arith.addi %while3A, %while3A_136 : i32
      %while3A_138 = arith.constant 1 : i32
      %while3A_139 = scf.for %while3A_149 = %while3A to %while3A_137 step %while3A_138 iter_args(%while3A_150 = %while3A_131) -> (i32)  : i32 {
        %mul3A_151 = arith.constant 3 : i32
        %mul3A_152 = arith.muli %mul3A_151, %while3A_149 : i32
        %add3A_153 = arith.constant 0 : i32
        %add3A_154 = arith.addi %mul3A_152, %add3A_153 : i32
        %lt3A = arith.cmpi slt, %add3A_154, %select_n3A_88 : i32
        %convert_element_type3A_155 = arith.extui %lt3A : i1 to i32
        %cond3A_156 = arith.constant 0 : i32
        %cond3A_157 = arith.cmpi ne, %convert_element_type3A_155, %cond3A_156 : i32
        scf.if %cond3A_157 {
          %add3A_195 = arith.constant 0 : i32
          %add3A_196 = arith.addi %mul3A_152, %add3A_195 : i32
          %dma_wait3A_197 = arith.constant 0 : i32
          %dma_wait3A_198 = arith.constant 0 : i32
          %dma_wait3A_199 = arith.constant 0 : i32
          %dma_wait3A_200 = tpu.memref_slice %arg16[%dma_wait3A_197, %dma_wait3A_198, %dma_wait3A_199] : memref<3x128x64xf32, #tpu.memory_space<vmem>> -> memref<1x128x64xf32, #tpu.memory_space<vmem>>
          %dma_wait3A_201 = tpu.memref_squeeze %dma_wait3A_200 : memref<1x128x64xf32, #tpu.memory_space<vmem>> -> memref<128x64xf32, #tpu.memory_space<vmem>>
          %dma_wait3A_202 = arith.constant 0 : i32
          %dma_wait3A_203 = arith.constant 0 : i32
          %dma_wait3A_204 = tpu.memref_slice %arg2[%dma_wait3A_202, %dma_wait3A_203] : memref<262144x64xf32, #tpu.memory_space<hbm>> -> memref<128x64xf32, #tpu.memory_space<hbm>>
          %dma_wait3A_205 = arith.constant 0 : i32
          %dma_wait3A_206 = arith.constant 0 : i32
          %dma_wait3A_207 = tpu.memref_slice %arg16[%dma_wait3A_197, %dma_wait3A_205, %dma_wait3A_206] : memref<3x128x64xf32, #tpu.memory_space<vmem>> -> memref<1x128x64xf32, #tpu.memory_space<vmem>>
          %dma_wait3A_208 = tpu.memref_squeeze %dma_wait3A_207 : memref<1x128x64xf32, #tpu.memory_space<vmem>> -> memref<128x64xf32, #tpu.memory_space<vmem>>
          %dma_wait3A_209 = arith.constant 0 : i32
          %dma_wait3A_210 = arith.constant 0 : i32
          %dma_wait3A_211 = tpu.memref_slice %arg2[%dma_wait3A_209, %dma_wait3A_210] : memref<262144x64xf32, #tpu.memory_space<hbm>> -> memref<128x64xf32, #tpu.memory_space<hbm>>
          tpu.wait_dma2 semaphore(%arg18 : memref<!tpu.dma_semaphore, #tpu.memory_space<semaphore_mem>>) src(%dma_wait3A_211 : memref<128x64xf32, #tpu.memory_space<hbm>>) dst(%dma_wait3A_208 : memref<128x64xf32, #tpu.memory_space<vmem>>)
          %scan3A_212 = arith.constant 0 : i32
          %scan3A_213 = arith.constant 0 : i32
          %scan3A_214 = arith.constant 8 : i32
          %scan3A_215 = arith.addi %scan3A_213, %scan3A_214 : i32
          %scan3A_216 = arith.constant 1 : i32
          %scan3A_217 = scf.for %scan3A_219 = %scan3A_213 to %scan3A_215 step %scan3A_216 iter_args(%scan3A_220 = %scan3A_212) -> (i32)  : i32 {
            %mul3A_221 = arith.constant 128 : i32
            %mul3A_222 = arith.muli %add3A_196, %mul3A_221 : i32
            %mul3A_223 = arith.constant 16 : i32
            %mul3A_224 = arith.muli %scan3A_219, %mul3A_223 : i32
            %add3A_225 = arith.addi %mul3A_222, %mul3A_224 : i32
            %get3A = arith.index_cast %add3A_225 : i32 to index
            %get3A_226 = tpu.vector_load %arg12[%get3A] {strides = array<i32>} : memref<8320xi32, #tpu.memory_space<vmem>>, vector<16xi32>,
            %mul3A_227 = arith.constant 16 : i32
            %mul3A_228 = arith.muli %scan3A_219, %mul3A_227 : i32
            %swap3A = arith.index_cast %add3A_196 : i32 to index
            %swap3A_229 = arith.index_cast %mul3A_228 : i32 to index
            %swap3A_230 = tpu.vector_load %arg14[%swap3A, %swap3A_229] {strides = array<i32>} : memref<65x128xi32, #tpu.memory_space<vmem>>, vector<16xi32>,
            tpu.vector_store %arg14[%swap3A, %swap3A_229], %get3A_226 {strides = array<i32>} : memref<65x128xi32, #tpu.memory_space<vmem>>, vector<16xi32>,
            %scan3A_231 = arith.constant 0 : i32
            scf.yield %scan3A_231 : i32
          }
          %scan3A_218 = arith.constant 8 : i32
          %run_scoped3A = arith.constant 0 : i32
          "tpu.region"() ({
            %run_scoped3A_219 = tpu.sem_alloc : memref<!tpu.dma_semaphore, #tpu.memory_space<semaphore_mem>>
            %dma_start3A_220 = arith.constant 0 : i32
            %dma_start3A_221 = arith.constant 0 : i32
            %dma_start3A_222 = tpu.memref_slice %arg16[%run_scoped3A, %dma_start3A_220, %dma_start3A_221] : memref<3x128x64xf32, #tpu.memory_space<vmem>> -> memref<1x128x64xf32, #tpu.memory_space<vmem>>
            %dma_start3A_223 = tpu.memref_squeeze %dma_start3A_222 : memref<1x128x64xf32, #tpu.memory_space<vmem>> -> memref<128x64xf32, #tpu.memory_space<vmem>>
            %dma_start3A_224 = arith.constant 0 : i32
            %dma_start3A_225 = tpu.memref_slice %arg14[%add3A_196, %dma_start3A_224] : memref<65x128xi32, #tpu.memory_space<vmem>> -> memref<1x128xi32, #tpu.memory_space<vmem>>
            %dma_start3A_226 = tpu.memref_squeeze %dma_start3A_225 : memref<1x128xi32, #tpu.memory_space<vmem>> -> memref<128xi32, #tpu.memory_space<vmem>>
            %dma_start3A_227 = arith.constant 0 : i32
            %dma_start3A_228 = arith.constant 0 : i32
            %dma_start3A_229 = tpu.memref_slice %arg9[%dma_start3A_227, %dma_start3A_228] : memref<16512x64xf32, #tpu.memory_space<vmem_shared>> -> memref<16512x64xf32, #tpu.memory_space<vmem_shared>>
            tpu.enqueue_indirect_dma source(%dma_start3A_223 : memref<128x64xf32, #tpu.memory_space<vmem>>) target(%dma_start3A_229 : memref<16512x64xf32, #tpu.memory_space<vmem_shared>>) offsets(%dma_start3A_226 : memref<128xi32, #tpu.memory_space<vmem>>) semaphore(%run_scoped3A_219 : memref<!tpu.dma_semaphore, #tpu.memory_space<semaphore_mem>>) {add = true}
            %dma_wait3A_230 = arith.constant 0 : i32
            %dma_wait3A_231 = arith.constant 0 : i32
            %dma_wait3A_232 = tpu.memref_slice %arg16[%run_scoped3A, %dma_wait3A_230, %dma_wait3A_231] : memref<3x128x64xf32, #tpu.memory_space<vmem>> -> memref<1x128x64xf32, #tpu.memory_space<vmem>>
            %dma_wait3A_233 = tpu.memref_squeeze %dma_wait3A_232 : memref<1x128x64xf32, #tpu.memory_space<vmem>> -> memref<128x64xf32, #tpu.memory_space<vmem>>
            %dma_wait3A_234 = arith.constant 0 : i32
            %dma_wait3A_235 = tpu.memref_slice %arg14[%add3A_196, %dma_wait3A_234] : memref<65x128xi32, #tpu.memory_space<vmem>> -> memref<1x128xi32, #tpu.memory_space<vmem>>
            %dma_wait3A_236 = tpu.memref_squeeze %dma_wait3A_235 : memref<1x128xi32, #tpu.memory_space<vmem>> -> memref<128xi32, #tpu.memory_space<vmem>>
            %dma_wait3A_237 = arith.constant 0 : i32
            %dma_wait3A_238 = arith.constant 0 : i32
            %dma_wait3A_239 = tpu.memref_slice %arg9[%dma_wait3A_237, %dma_wait3A_238] : memref<16512x64xf32, #tpu.memory_space<vmem_shared>> -> memref<16512x64xf32, #tpu.memory_space<vmem_shared>>
            tpu.wait_indirect_dma semaphore(%run_scoped3A_219 : memref<!tpu.dma_semaphore, #tpu.memory_space<semaphore_mem>>) src(%dma_wait3A_233 : memref<128x64xf32, #tpu.memory_space<vmem>>) dst(%dma_wait3A_239 : memref<16512x64xf32, #tpu.memory_space<vmem_shared>>)
            tpu.yield
          }) : () -> ()
          "tpu.region"() ({
            %run_scoped3A_219 = tpu.sem_alloc : memref<!tpu.dma_semaphore, #tpu.memory_space<semaphore_mem>>
            %dma_start3A_220 = arith.constant 0 : i32
            %dma_start3A_221 = tpu.memref_slice %arg14[%add3A_196, %dma_start3A_220] : memref<65x128xi32, #tpu.memory_space<vmem>> -> memref<1x128xi32, #tpu.memory_space<vmem>>
            %dma_start3A_222 = tpu.memref_squeeze %dma_start3A_221 : memref<1x128xi32, #tpu.memory_space<vmem>> -> memref<128xi32, #tpu.memory_space<vmem>>
            %dma_start3A_223 = arith.constant 0 : i32
            %dma_start3A_224 = tpu.memref_slice %arg10[%dma_start3A_223] : memref<16512xf32, #tpu.memory_space<vmem_shared>> -> memref<16512xf32, #tpu.memory_space<vmem_shared>>
            tpu.enqueue_indirect_dma source(%arg15 : memref<128xf32, #tpu.memory_space<vmem>>) target(%dma_start3A_224 : memref<16512xf32, #tpu.memory_space<vmem_shared>>) offsets(%dma_start3A_222 : memref<128xi32, #tpu.memory_space<vmem>>) semaphore(%run_scoped3A_219 : memref<!tpu.dma_semaphore, #tpu.memory_space<semaphore_mem>>) {add = true}
            %dma_wait3A_225 = arith.constant 0 : i32
            %dma_wait3A_226 = tpu.memref_slice %arg14[%add3A_196, %dma_wait3A_225] : memref<65x128xi32, #tpu.memory_space<vmem>> -> memref<1x128xi32, #tpu.memory_space<vmem>>
            %dma_wait3A_227 = tpu.memref_squeeze %dma_wait3A_226 : memref<1x128xi32, #tpu.memory_space<vmem>> -> memref<128xi32, #tpu.memory_space<vmem>>
            %dma_wait3A_228 = arith.constant 0 : i32
            %dma_wait3A_229 = tpu.memref_slice %arg10[%dma_wait3A_228] : memref<16512xf32, #tpu.memory_space<vmem_shared>> -> memref<16512xf32, #tpu.memory_space<vmem_shared>>
            tpu.wait_indirect_dma semaphore(%run_scoped3A_219 : memref<!tpu.dma_semaphore, #tpu.memory_space<semaphore_mem>>) src(%arg15 : memref<128xf32, #tpu.memory_space<vmem>>) dst(%dma_wait3A_229 : memref<16512xf32, #tpu.memory_space<vmem_shared>>)
            tpu.yield
          }) : () -> ()
        } else {
        }
        %add3A_158 = arith.constant 1 : i32
        %add3A_159 = arith.addi %mul3A_152, %add3A_158 : i32
        %lt3A_160 = arith.cmpi slt, %add3A_159, %select_n3A_88 : i32
        %convert_element_type3A_161 = arith.extui %lt3A_160 : i1 to i32
        %cond3A_162 = arith.constant 0 : i32
        %cond3A_163 = arith.cmpi ne, %convert_element_type3A_161, %cond3A_162 : i32
        scf.if %cond3A_163 {
          %add3A_195 = arith.constant 1 : i32
          %add3A_196 = arith.addi %mul3A_152, %add3A_195 : i32
          %dma_wait3A_197 = arith.constant 1 : i32
          %dma_wait3A_198 = arith.constant 0 : i32
          %dma_wait3A_199 = arith.constant 0 : i32
          %dma_wait3A_200 = tpu.memref_slice %arg16[%dma_wait3A_197, %dma_wait3A_198, %dma_wait3A_199] : memref<3x128x64xf32, #tpu.memory_space<vmem>> -> memref<1x128x64xf32, #tpu.memory_space<vmem>>
          %dma_wait3A_201 = tpu.memref_squeeze %dma_wait3A_200 : memref<1x128x64xf32, #tpu.memory_space<vmem>> -> memref<128x64xf32, #tpu.memory_space<vmem>>
          %dma_wait3A_202 = arith.constant 0 : i32
          %dma_wait3A_203 = arith.constant 0 : i32
          %dma_wait3A_204 = tpu.memref_slice %arg2[%dma_wait3A_202, %dma_wait3A_203] : memref<262144x64xf32, #tpu.memory_space<hbm>> -> memref<128x64xf32, #tpu.memory_space<hbm>>
          %dma_wait3A_205 = arith.constant 0 : i32
          %dma_wait3A_206 = arith.constant 0 : i32
          %dma_wait3A_207 = tpu.memref_slice %arg16[%dma_wait3A_197, %dma_wait3A_205, %dma_wait3A_206] : memref<3x128x64xf32, #tpu.memory_space<vmem>> -> memref<1x128x64xf32, #tpu.memory_space<vmem>>
          %dma_wait3A_208 = tpu.memref_squeeze %dma_wait3A_207 : memref<1x128x64xf32, #tpu.memory_space<vmem>> -> memref<128x64xf32, #tpu.memory_space<vmem>>
          %dma_wait3A_209 = arith.constant 0 : i32
          %dma_wait3A_210 = arith.constant 0 : i32
          %dma_wait3A_211 = tpu.memref_slice %arg2[%dma_wait3A_209, %dma_wait3A_210] : memref<262144x64xf32, #tpu.memory_space<hbm>> -> memref<128x64xf32, #tpu.memory_space<hbm>>
          tpu.wait_dma2 semaphore(%arg19 : memref<!tpu.dma_semaphore, #tpu.memory_space<semaphore_mem>>) src(%dma_wait3A_211 : memref<128x64xf32, #tpu.memory_space<hbm>>) dst(%dma_wait3A_208 : memref<128x64xf32, #tpu.memory_space<vmem>>)
          %scan3A_212 = arith.constant 0 : i32
          %scan3A_213 = arith.constant 0 : i32
          %scan3A_214 = arith.constant 8 : i32
          %scan3A_215 = arith.addi %scan3A_213, %scan3A_214 : i32
          %scan3A_216 = arith.constant 1 : i32
          %scan3A_217 = scf.for %scan3A_219 = %scan3A_213 to %scan3A_215 step %scan3A_216 iter_args(%scan3A_220 = %scan3A_212) -> (i32)  : i32 {
            %mul3A_221 = arith.constant 128 : i32
            %mul3A_222 = arith.muli %add3A_196, %mul3A_221 : i32
            %mul3A_223 = arith.constant 16 : i32
            %mul3A_224 = arith.muli %scan3A_219, %mul3A_223 : i32
            %add3A_225 = arith.addi %mul3A_222, %mul3A_224 : i32
            %get3A = arith.index_cast %add3A_225 : i32 to index
            %get3A_226 = tpu.vector_load %arg12[%get3A] {strides = array<i32>} : memref<8320xi32, #tpu.memory_space<vmem>>, vector<16xi32>,
            %mul3A_227 = arith.constant 16 : i32
            %mul3A_228 = arith.muli %scan3A_219, %mul3A_227 : i32
            %swap3A = arith.index_cast %add3A_196 : i32 to index
            %swap3A_229 = arith.index_cast %mul3A_228 : i32 to index
            %swap3A_230 = tpu.vector_load %arg14[%swap3A, %swap3A_229] {strides = array<i32>} : memref<65x128xi32, #tpu.memory_space<vmem>>, vector<16xi32>,
            tpu.vector_store %arg14[%swap3A, %swap3A_229], %get3A_226 {strides = array<i32>} : memref<65x128xi32, #tpu.memory_space<vmem>>, vector<16xi32>,
            %scan3A_231 = arith.constant 0 : i32
            scf.yield %scan3A_231 : i32
          }
          %scan3A_218 = arith.constant 8 : i32
          %run_scoped3A = arith.constant 1 : i32
          "tpu.region"() ({
            %run_scoped3A_219 = tpu.sem_alloc : memref<!tpu.dma_semaphore, #tpu.memory_space<semaphore_mem>>
            %dma_start3A_220 = arith.constant 0 : i32
            %dma_start3A_221 = arith.constant 0 : i32
            %dma_start3A_222 = tpu.memref_slice %arg16[%run_scoped3A, %dma_start3A_220, %dma_start3A_221] : memref<3x128x64xf32, #tpu.memory_space<vmem>> -> memref<1x128x64xf32, #tpu.memory_space<vmem>>
            %dma_start3A_223 = tpu.memref_squeeze %dma_start3A_222 : memref<1x128x64xf32, #tpu.memory_space<vmem>> -> memref<128x64xf32, #tpu.memory_space<vmem>>
            %dma_start3A_224 = arith.constant 0 : i32
            %dma_start3A_225 = tpu.memref_slice %arg14[%add3A_196, %dma_start3A_224] : memref<65x128xi32, #tpu.memory_space<vmem>> -> memref<1x128xi32, #tpu.memory_space<vmem>>
            %dma_start3A_226 = tpu.memref_squeeze %dma_start3A_225 : memref<1x128xi32, #tpu.memory_space<vmem>> -> memref<128xi32, #tpu.memory_space<vmem>>
            %dma_start3A_227 = arith.constant 0 : i32
            %dma_start3A_228 = arith.constant 0 : i32
            %dma_start3A_229 = tpu.memref_slice %arg9[%dma_start3A_227, %dma_start3A_228] : memref<16512x64xf32, #tpu.memory_space<vmem_shared>> -> memref<16512x64xf32, #tpu.memory_space<vmem_shared>>
            tpu.enqueue_indirect_dma source(%dma_start3A_223 : memref<128x64xf32, #tpu.memory_space<vmem>>) target(%dma_start3A_229 : memref<16512x64xf32, #tpu.memory_space<vmem_shared>>) offsets(%dma_start3A_226 : memref<128xi32, #tpu.memory_space<vmem>>) semaphore(%run_scoped3A_219 : memref<!tpu.dma_semaphore, #tpu.memory_space<semaphore_mem>>) {add = true}
            %dma_wait3A_230 = arith.constant 0 : i32
            %dma_wait3A_231 = arith.constant 0 : i32
            %dma_wait3A_232 = tpu.memref_slice %arg16[%run_scoped3A, %dma_wait3A_230, %dma_wait3A_231] : memref<3x128x64xf32, #tpu.memory_space<vmem>> -> memref<1x128x64xf32, #tpu.memory_space<vmem>>
            %dma_wait3A_233 = tpu.memref_squeeze %dma_wait3A_232 : memref<1x128x64xf32, #tpu.memory_space<vmem>> -> memref<128x64xf32, #tpu.memory_space<vmem>>
            %dma_wait3A_234 = arith.constant 0 : i32
            %dma_wait3A_235 = tpu.memref_slice %arg14[%add3A_196, %dma_wait3A_234] : memref<65x128xi32, #tpu.memory_space<vmem>> -> memref<1x128xi32, #tpu.memory_space<vmem>>
            %dma_wait3A_236 = tpu.memref_squeeze %dma_wait3A_235 : memref<1x128xi32, #tpu.memory_space<vmem>> -> memref<128xi32, #tpu.memory_space<vmem>>
            %dma_wait3A_237 = arith.constant 0 : i32
            %dma_wait3A_238 = arith.constant 0 : i32
            %dma_wait3A_239 = tpu.memref_slice %arg9[%dma_wait3A_237, %dma_wait3A_238] : memref<16512x64xf32, #tpu.memory_space<vmem_shared>> -> memref<16512x64xf32, #tpu.memory_space<vmem_shared>>
            tpu.wait_indirect_dma semaphore(%run_scoped3A_219 : memref<!tpu.dma_semaphore, #tpu.memory_space<semaphore_mem>>) src(%dma_wait3A_233 : memref<128x64xf32, #tpu.memory_space<vmem>>) dst(%dma_wait3A_239 : memref<16512x64xf32, #tpu.memory_space<vmem_shared>>)
            tpu.yield
          }) : () -> ()
          "tpu.region"() ({
            %run_scoped3A_219 = tpu.sem_alloc : memref<!tpu.dma_semaphore, #tpu.memory_space<semaphore_mem>>
            %dma_start3A_220 = arith.constant 0 : i32
            %dma_start3A_221 = tpu.memref_slice %arg14[%add3A_196, %dma_start3A_220] : memref<65x128xi32, #tpu.memory_space<vmem>> -> memref<1x128xi32, #tpu.memory_space<vmem>>
            %dma_start3A_222 = tpu.memref_squeeze %dma_start3A_221 : memref<1x128xi32, #tpu.memory_space<vmem>> -> memref<128xi32, #tpu.memory_space<vmem>>
            %dma_start3A_223 = arith.constant 0 : i32
            %dma_start3A_224 = tpu.memref_slice %arg10[%dma_start3A_223] : memref<16512xf32, #tpu.memory_space<vmem_shared>> -> memref<16512xf32, #tpu.memory_space<vmem_shared>>
            tpu.enqueue_indirect_dma source(%arg15 : memref<128xf32, #tpu.memory_space<vmem>>) target(%dma_start3A_224 : memref<16512xf32, #tpu.memory_space<vmem_shared>>) offsets(%dma_start3A_222 : memref<128xi32, #tpu.memory_space<vmem>>) semaphore(%run_scoped3A_219 : memref<!tpu.dma_semaphore, #tpu.memory_space<semaphore_mem>>) {add = true}
            %dma_wait3A_225 = arith.constant 0 : i32
            %dma_wait3A_226 = tpu.memref_slice %arg14[%add3A_196, %dma_wait3A_225] : memref<65x128xi32, #tpu.memory_space<vmem>> -> memref<1x128xi32, #tpu.memory_space<vmem>>
            %dma_wait3A_227 = tpu.memref_squeeze %dma_wait3A_226 : memref<1x128xi32, #tpu.memory_space<vmem>> -> memref<128xi32, #tpu.memory_space<vmem>>
            %dma_wait3A_228 = arith.constant 0 : i32
            %dma_wait3A_229 = tpu.memref_slice %arg10[%dma_wait3A_228] : memref<16512xf32, #tpu.memory_space<vmem_shared>> -> memref<16512xf32, #tpu.memory_space<vmem_shared>>
            tpu.wait_indirect_dma semaphore(%run_scoped3A_219 : memref<!tpu.dma_semaphore, #tpu.memory_space<semaphore_mem>>) src(%arg15 : memref<128xf32, #tpu.memory_space<vmem>>) dst(%dma_wait3A_229 : memref<16512xf32, #tpu.memory_space<vmem_shared>>)
            tpu.yield
          }) : () -> ()
        } else {
        }
        %add3A_164 = arith.constant 2 : i32
        %add3A_165 = arith.addi %mul3A_152, %add3A_164 : i32
        %lt3A_166 = arith.cmpi slt, %add3A_165, %select_n3A_88 : i32
        %convert_element_type3A_167 = arith.extui %lt3A_166 : i1 to i32
        %cond3A_168 = arith.constant 0 : i32
        %cond3A_169 = arith.cmpi ne, %convert_element_type3A_167, %cond3A_168 : i32
        scf.if %cond3A_169 {
          %add3A_195 = arith.constant 2 : i32
          %add3A_196 = arith.addi %mul3A_152, %add3A_195 : i32
          %dma_wait3A_197 = arith.constant 2 : i32
          %dma_wait3A_198 = arith.constant 0 : i32
          %dma_wait3A_199 = arith.constant 0 : i32
          %dma_wait3A_200 = tpu.memref_slice %arg16[%dma_wait3A_197, %dma_wait3A_198, %dma_wait3A_199] : memref<3x128x64xf32, #tpu.memory_space<vmem>> -> memref<1x128x64xf32, #tpu.memory_space<vmem>>
          %dma_wait3A_201 = tpu.memref_squeeze %dma_wait3A_200 : memref<1x128x64xf32, #tpu.memory_space<vmem>> -> memref<128x64xf32, #tpu.memory_space<vmem>>
          %dma_wait3A_202 = arith.constant 0 : i32
          %dma_wait3A_203 = arith.constant 0 : i32
          %dma_wait3A_204 = tpu.memref_slice %arg2[%dma_wait3A_202, %dma_wait3A_203] : memref<262144x64xf32, #tpu.memory_space<hbm>> -> memref<128x64xf32, #tpu.memory_space<hbm>>
          %dma_wait3A_205 = arith.constant 0 : i32
          %dma_wait3A_206 = arith.constant 0 : i32
          %dma_wait3A_207 = tpu.memref_slice %arg16[%dma_wait3A_197, %dma_wait3A_205, %dma_wait3A_206] : memref<3x128x64xf32, #tpu.memory_space<vmem>> -> memref<1x128x64xf32, #tpu.memory_space<vmem>>
          %dma_wait3A_208 = tpu.memref_squeeze %dma_wait3A_207 : memref<1x128x64xf32, #tpu.memory_space<vmem>> -> memref<128x64xf32, #tpu.memory_space<vmem>>
          %dma_wait3A_209 = arith.constant 0 : i32
          %dma_wait3A_210 = arith.constant 0 : i32
          %dma_wait3A_211 = tpu.memref_slice %arg2[%dma_wait3A_209, %dma_wait3A_210] : memref<262144x64xf32, #tpu.memory_space<hbm>> -> memref<128x64xf32, #tpu.memory_space<hbm>>
          tpu.wait_dma2 semaphore(%arg20 : memref<!tpu.dma_semaphore, #tpu.memory_space<semaphore_mem>>) src(%dma_wait3A_211 : memref<128x64xf32, #tpu.memory_space<hbm>>) dst(%dma_wait3A_208 : memref<128x64xf32, #tpu.memory_space<vmem>>)
          %scan3A_212 = arith.constant 0 : i32
          %scan3A_213 = arith.constant 0 : i32
          %scan3A_214 = arith.constant 8 : i32
          %scan3A_215 = arith.addi %scan3A_213, %scan3A_214 : i32
          %scan3A_216 = arith.constant 1 : i32
          %scan3A_217 = scf.for %scan3A_219 = %scan3A_213 to %scan3A_215 step %scan3A_216 iter_args(%scan3A_220 = %scan3A_212) -> (i32)  : i32 {
            %mul3A_221 = arith.constant 128 : i32
            %mul3A_222 = arith.muli %add3A_196, %mul3A_221 : i32
            %mul3A_223 = arith.constant 16 : i32
            %mul3A_224 = arith.muli %scan3A_219, %mul3A_223 : i32
            %add3A_225 = arith.addi %mul3A_222, %mul3A_224 : i32
            %get3A = arith.index_cast %add3A_225 : i32 to index
            %get3A_226 = tpu.vector_load %arg12[%get3A] {strides = array<i32>} : memref<8320xi32, #tpu.memory_space<vmem>>, vector<16xi32>,
            %mul3A_227 = arith.constant 16 : i32
            %mul3A_228 = arith.muli %scan3A_219, %mul3A_227 : i32
            %swap3A = arith.index_cast %add3A_196 : i32 to index
            %swap3A_229 = arith.index_cast %mul3A_228 : i32 to index
            %swap3A_230 = tpu.vector_load %arg14[%swap3A, %swap3A_229] {strides = array<i32>} : memref<65x128xi32, #tpu.memory_space<vmem>>, vector<16xi32>,
            tpu.vector_store %arg14[%swap3A, %swap3A_229], %get3A_226 {strides = array<i32>} : memref<65x128xi32, #tpu.memory_space<vmem>>, vector<16xi32>,
            %scan3A_231 = arith.constant 0 : i32
            scf.yield %scan3A_231 : i32
          }
          %scan3A_218 = arith.constant 8 : i32
          %run_scoped3A = arith.constant 2 : i32
          "tpu.region"() ({
            %run_scoped3A_219 = tpu.sem_alloc : memref<!tpu.dma_semaphore, #tpu.memory_space<semaphore_mem>>
            %dma_start3A_220 = arith.constant 0 : i32
            %dma_start3A_221 = arith.constant 0 : i32
            %dma_start3A_222 = tpu.memref_slice %arg16[%run_scoped3A, %dma_start3A_220, %dma_start3A_221] : memref<3x128x64xf32, #tpu.memory_space<vmem>> -> memref<1x128x64xf32, #tpu.memory_space<vmem>>
            %dma_start3A_223 = tpu.memref_squeeze %dma_start3A_222 : memref<1x128x64xf32, #tpu.memory_space<vmem>> -> memref<128x64xf32, #tpu.memory_space<vmem>>
            %dma_start3A_224 = arith.constant 0 : i32
            %dma_start3A_225 = tpu.memref_slice %arg14[%add3A_196, %dma_start3A_224] : memref<65x128xi32, #tpu.memory_space<vmem>> -> memref<1x128xi32, #tpu.memory_space<vmem>>
            %dma_start3A_226 = tpu.memref_squeeze %dma_start3A_225 : memref<1x128xi32, #tpu.memory_space<vmem>> -> memref<128xi32, #tpu.memory_space<vmem>>
            %dma_start3A_227 = arith.constant 0 : i32
            %dma_start3A_228 = arith.constant 0 : i32
            %dma_start3A_229 = tpu.memref_slice %arg9[%dma_start3A_227, %dma_start3A_228] : memref<16512x64xf32, #tpu.memory_space<vmem_shared>> -> memref<16512x64xf32, #tpu.memory_space<vmem_shared>>
            tpu.enqueue_indirect_dma source(%dma_start3A_223 : memref<128x64xf32, #tpu.memory_space<vmem>>) target(%dma_start3A_229 : memref<16512x64xf32, #tpu.memory_space<vmem_shared>>) offsets(%dma_start3A_226 : memref<128xi32, #tpu.memory_space<vmem>>) semaphore(%run_scoped3A_219 : memref<!tpu.dma_semaphore, #tpu.memory_space<semaphore_mem>>) {add = true}
            %dma_wait3A_230 = arith.constant 0 : i32
            %dma_wait3A_231 = arith.constant 0 : i32
            %dma_wait3A_232 = tpu.memref_slice %arg16[%run_scoped3A, %dma_wait3A_230, %dma_wait3A_231] : memref<3x128x64xf32, #tpu.memory_space<vmem>> -> memref<1x128x64xf32, #tpu.memory_space<vmem>>
            %dma_wait3A_233 = tpu.memref_squeeze %dma_wait3A_232 : memref<1x128x64xf32, #tpu.memory_space<vmem>> -> memref<128x64xf32, #tpu.memory_space<vmem>>
            %dma_wait3A_234 = arith.constant 0 : i32
            %dma_wait3A_235 = tpu.memref_slice %arg14[%add3A_196, %dma_wait3A_234] : memref<65x128xi32, #tpu.memory_space<vmem>> -> memref<1x128xi32, #tpu.memory_space<vmem>>
            %dma_wait3A_236 = tpu.memref_squeeze %dma_wait3A_235 : memref<1x128xi32, #tpu.memory_space<vmem>> -> memref<128xi32, #tpu.memory_space<vmem>>
            %dma_wait3A_237 = arith.constant 0 : i32
            %dma_wait3A_238 = arith.constant 0 : i32
            %dma_wait3A_239 = tpu.memref_slice %arg9[%dma_wait3A_237, %dma_wait3A_238] : memref<16512x64xf32, #tpu.memory_space<vmem_shared>> -> memref<16512x64xf32, #tpu.memory_space<vmem_shared>>
            tpu.wait_indirect_dma semaphore(%run_scoped3A_219 : memref<!tpu.dma_semaphore, #tpu.memory_space<semaphore_mem>>) src(%dma_wait3A_233 : memref<128x64xf32, #tpu.memory_space<vmem>>) dst(%dma_wait3A_239 : memref<16512x64xf32, #tpu.memory_space<vmem_shared>>)
            tpu.yield
          }) : () -> ()
          "tpu.region"() ({
            %run_scoped3A_219 = tpu.sem_alloc : memref<!tpu.dma_semaphore, #tpu.memory_space<semaphore_mem>>
            %dma_start3A_220 = arith.constant 0 : i32
            %dma_start3A_221 = tpu.memref_slice %arg14[%add3A_196, %dma_start3A_220] : memref<65x128xi32, #tpu.memory_space<vmem>> -> memref<1x128xi32, #tpu.memory_space<vmem>>
            %dma_start3A_222 = tpu.memref_squeeze %dma_start3A_221 : memref<1x128xi32, #tpu.memory_space<vmem>> -> memref<128xi32, #tpu.memory_space<vmem>>
            %dma_start3A_223 = arith.constant 0 : i32
            %dma_start3A_224 = tpu.memref_slice %arg10[%dma_start3A_223] : memref<16512xf32, #tpu.memory_space<vmem_shared>> -> memref<16512xf32, #tpu.memory_space<vmem_shared>>
            tpu.enqueue_indirect_dma source(%arg15 : memref<128xf32, #tpu.memory_space<vmem>>) target(%dma_start3A_224 : memref<16512xf32, #tpu.memory_space<vmem_shared>>) offsets(%dma_start3A_222 : memref<128xi32, #tpu.memory_space<vmem>>) semaphore(%run_scoped3A_219 : memref<!tpu.dma_semaphore, #tpu.memory_space<semaphore_mem>>) {add = true}
            %dma_wait3A_225 = arith.constant 0 : i32
            %dma_wait3A_226 = tpu.memref_slice %arg14[%add3A_196, %dma_wait3A_225] : memref<65x128xi32, #tpu.memory_space<vmem>> -> memref<1x128xi32, #tpu.memory_space<vmem>>
            %dma_wait3A_227 = tpu.memref_squeeze %dma_wait3A_226 : memref<1x128xi32, #tpu.memory_space<vmem>> -> memref<128xi32, #tpu.memory_space<vmem>>
            %dma_wait3A_228 = arith.constant 0 : i32
            %dma_wait3A_229 = tpu.memref_slice %arg10[%dma_wait3A_228] : memref<16512xf32, #tpu.memory_space<vmem_shared>> -> memref<16512xf32, #tpu.memory_space<vmem_shared>>
            tpu.wait_indirect_dma semaphore(%run_scoped3A_219 : memref<!tpu.dma_semaphore, #tpu.memory_space<semaphore_mem>>) src(%arg15 : memref<128xf32, #tpu.memory_space<vmem>>) dst(%dma_wait3A_229 : memref<16512xf32, #tpu.memory_space<vmem_shared>>)
            tpu.yield
          }) : () -> ()
        } else {
        }
        %add3A_170 = arith.constant 0 : i32
        %add3A_171 = arith.addi %mul3A_152, %add3A_170 : i32
        %add3A_172 = arith.constant 3 : i32
        %add3A_173 = arith.addi %add3A_171, %add3A_172 : i32
        %lt3A_174 = arith.cmpi slt, %add3A_173, %select_n3A_88 : i32
        %convert_element_type3A_175 = arith.extui %lt3A_174 : i1 to i32
        %cond3A_176 = arith.constant 0 : i32
        %cond3A_177 = arith.cmpi ne, %convert_element_type3A_175, %cond3A_176 : i32
        scf.if %cond3A_177 {
          %add3A_195 = arith.constant 0 : i32
          %add3A_196 = arith.addi %mul3A_152, %add3A_195 : i32
          %add3A_197 = arith.constant 3 : i32
          %add3A_198 = arith.addi %add3A_196, %add3A_197 : i32
          %mul3A_199 = arith.constant 128 : i32
          %mul3A_200 = arith.muli %add3A_198, %mul3A_199 : i32
          %dma_start3A_201 = arith.constant 0 : i32
          %dma_start3A_202 = arith.constant 0 : i32
          %dma_start3A_203 = arith.constant 0 : i32
          %dma_start3A_204 = tpu.memref_slice %arg16[%dma_start3A_201, %dma_start3A_202, %dma_start3A_203] : memref<3x128x64xf32, #tpu.memory_space<vmem>> -> memref<1x128x64xf32, #tpu.memory_space<vmem>>
          %dma_start3A_205 = tpu.memref_squeeze %dma_start3A_204 : memref<1x128x64xf32, #tpu.memory_space<vmem>> -> memref<128x64xf32, #tpu.memory_space<vmem>>
          %dma_start3A_206 = tpu.memref_slice %arg13[%mul3A_200] : memref<8320xi32, #tpu.memory_space<vmem>> -> memref<128xi32, #tpu.memory_space<vmem>>
          %dma_start3A_207 = arith.constant 0 : i32
          %dma_start3A_208 = arith.constant 0 : i32
          %dma_start3A_209 = tpu.memref_slice %arg2[%dma_start3A_207, %dma_start3A_208] : memref<262144x64xf32, #tpu.memory_space<hbm>> -> memref<262144x64xf32, #tpu.memory_space<hbm>>
          tpu.enqueue_indirect_dma source(%dma_start3A_209 : memref<262144x64xf32, #tpu.memory_space<hbm>>) target(%dma_start3A_205 : memref<128x64xf32, #tpu.memory_space<vmem>>) offsets(%dma_start3A_206 : memref<128xi32, #tpu.memory_space<vmem>>) semaphore(%arg18 : memref<!tpu.dma_semaphore, #tpu.memory_space<semaphore_mem>>)
        } else {
        }
        %add3A_178 = arith.constant 1 : i32
        %add3A_179 = arith.addi %mul3A_152, %add3A_178 : i32
        %add3A_180 = arith.constant 3 : i32
        %add3A_181 = arith.addi %add3A_179, %add3A_180 : i32
        %lt3A_182 = arith.cmpi slt, %add3A_181, %select_n3A_88 : i32
        %convert_element_type3A_183 = arith.extui %lt3A_182 : i1 to i32
        %cond3A_184 = arith.constant 0 : i32
        %cond3A_185 = arith.cmpi ne, %convert_element_type3A_183, %cond3A_184 : i32
        scf.if %cond3A_185 {
          %add3A_195 = arith.constant 1 : i32
          %add3A_196 = arith.addi %mul3A_152, %add3A_195 : i32
          %add3A_197 = arith.constant 3 : i32
          %add3A_198 = arith.addi %add3A_196, %add3A_197 : i32
          %mul3A_199 = arith.constant 128 : i32
          %mul3A_200 = arith.muli %add3A_198, %mul3A_199 : i32
          %dma_start3A_201 = arith.constant 1 : i32
          %dma_start3A_202 = arith.constant 0 : i32
          %dma_start3A_203 = arith.constant 0 : i32
          %dma_start3A_204 = tpu.memref_slice %arg16[%dma_start3A_201, %dma_start3A_202, %dma_start3A_203] : memref<3x128x64xf32, #tpu.memory_space<vmem>> -> memref<1x128x64xf32, #tpu.memory_space<vmem>>
          %dma_start3A_205 = tpu.memref_squeeze %dma_start3A_204 : memref<1x128x64xf32, #tpu.memory_space<vmem>> -> memref<128x64xf32, #tpu.memory_space<vmem>>
          %dma_start3A_206 = tpu.memref_slice %arg13[%mul3A_200] : memref<8320xi32, #tpu.memory_space<vmem>> -> memref<128xi32, #tpu.memory_space<vmem>>
          %dma_start3A_207 = arith.constant 0 : i32
          %dma_start3A_208 = arith.constant 0 : i32
          %dma_start3A_209 = tpu.memref_slice %arg2[%dma_start3A_207, %dma_start3A_208] : memref<262144x64xf32, #tpu.memory_space<hbm>> -> memref<262144x64xf32, #tpu.memory_space<hbm>>
          tpu.enqueue_indirect_dma source(%dma_start3A_209 : memref<262144x64xf32, #tpu.memory_space<hbm>>) target(%dma_start3A_205 : memref<128x64xf32, #tpu.memory_space<vmem>>) offsets(%dma_start3A_206 : memref<128xi32, #tpu.memory_space<vmem>>) semaphore(%arg19 : memref<!tpu.dma_semaphore, #tpu.memory_space<semaphore_mem>>)
        } else {
        }
        %add3A_186 = arith.constant 2 : i32
        %add3A_187 = arith.addi %mul3A_152, %add3A_186 : i32
        %add3A_188 = arith.constant 3 : i32
        %add3A_189 = arith.addi %add3A_187, %add3A_188 : i32
        %lt3A_190 = arith.cmpi slt, %add3A_189, %select_n3A_88 : i32
        %convert_element_type3A_191 = arith.extui %lt3A_190 : i1 to i32
        %cond3A_192 = arith.constant 0 : i32
        %cond3A_193 = arith.cmpi ne, %convert_element_type3A_191, %cond3A_192 : i32
        scf.if %cond3A_193 {
          %add3A_195 = arith.constant 2 : i32
          %add3A_196 = arith.addi %mul3A_152, %add3A_195 : i32
          %add3A_197 = arith.constant 3 : i32
          %add3A_198 = arith.addi %add3A_196, %add3A_197 : i32
          %mul3A_199 = arith.constant 128 : i32
          %mul3A_200 = arith.muli %add3A_198, %mul3A_199 : i32
          %dma_start3A_201 = arith.constant 2 : i32
          %dma_start3A_202 = arith.constant 0 : i32
          %dma_start3A_203 = arith.constant 0 : i32
          %dma_start3A_204 = tpu.memref_slice %arg16[%dma_start3A_201, %dma_start3A_202, %dma_start3A_203] : memref<3x128x64xf32, #tpu.memory_space<vmem>> -> memref<1x128x64xf32, #tpu.memory_space<vmem>>
          %dma_start3A_205 = tpu.memref_squeeze %dma_start3A_204 : memref<1x128x64xf32, #tpu.memory_space<vmem>> -> memref<128x64xf32, #tpu.memory_space<vmem>>
          %dma_start3A_206 = tpu.memref_slice %arg13[%mul3A_200] : memref<8320xi32, #tpu.memory_space<vmem>> -> memref<128xi32, #tpu.memory_space<vmem>>
          %dma_start3A_207 = arith.constant 0 : i32
          %dma_start3A_208 = arith.constant 0 : i32
          %dma_start3A_209 = tpu.memref_slice %arg2[%dma_start3A_207, %dma_start3A_208] : memref<262144x64xf32, #tpu.memory_space<hbm>> -> memref<262144x64xf32, #tpu.memory_space<hbm>>
          tpu.enqueue_indirect_dma source(%dma_start3A_209 : memref<262144x64xf32, #tpu.memory_space<hbm>>) target(%dma_start3A_205 : memref<128x64xf32, #tpu.memory_space<vmem>>) offsets(%dma_start3A_206 : memref<128xi32, #tpu.memory_space<vmem>>) semaphore(%arg20 : memref<!tpu.dma_semaphore, #tpu.memory_space<semaphore_mem>>)
        } else {
        }
        %while3A_194 = arith.constant 0 : i32
        scf.yield %while3A_194 : i32
      }
      %while3A_140 = arith.constant 1 : i32
      %while3A_141 = scf.for %while3A_149 = %while3A_137 to %while3A_133 step %while3A_140 iter_args(%while3A_150 = %while3A_139) -> (i32)  : i32 {
        %mul3A_151 = arith.constant 3 : i32
        %mul3A_152 = arith.muli %mul3A_151, %while3A_149 : i32
        %add3A_153 = arith.constant 0 : i32
        %add3A_154 = arith.addi %mul3A_152, %add3A_153 : i32
        %lt3A = arith.cmpi slt, %add3A_154, %select_n3A_88 : i32
        %convert_element_type3A_155 = arith.extui %lt3A : i1 to i32
        %cond3A_156 = arith.constant 0 : i32
        %cond3A_157 = arith.cmpi ne, %convert_element_type3A_155, %cond3A_156 : i32
        scf.if %cond3A_157 {
          %add3A_195 = arith.constant 0 : i32
          %add3A_196 = arith.addi %mul3A_152, %add3A_195 : i32
          %dma_wait3A_197 = arith.constant 0 : i32
          %dma_wait3A_198 = arith.constant 0 : i32
          %dma_wait3A_199 = arith.constant 0 : i32
          %dma_wait3A_200 = tpu.memref_slice %arg16[%dma_wait3A_197, %dma_wait3A_198, %dma_wait3A_199] : memref<3x128x64xf32, #tpu.memory_space<vmem>> -> memref<1x128x64xf32, #tpu.memory_space<vmem>>
          %dma_wait3A_201 = tpu.memref_squeeze %dma_wait3A_200 : memref<1x128x64xf32, #tpu.memory_space<vmem>> -> memref<128x64xf32, #tpu.memory_space<vmem>>
          %dma_wait3A_202 = arith.constant 0 : i32
          %dma_wait3A_203 = arith.constant 0 : i32
          %dma_wait3A_204 = tpu.memref_slice %arg2[%dma_wait3A_202, %dma_wait3A_203] : memref<262144x64xf32, #tpu.memory_space<hbm>> -> memref<128x64xf32, #tpu.memory_space<hbm>>
          %dma_wait3A_205 = arith.constant 0 : i32
          %dma_wait3A_206 = arith.constant 0 : i32
          %dma_wait3A_207 = tpu.memref_slice %arg16[%dma_wait3A_197, %dma_wait3A_205, %dma_wait3A_206] : memref<3x128x64xf32, #tpu.memory_space<vmem>> -> memref<1x128x64xf32, #tpu.memory_space<vmem>>
          %dma_wait3A_208 = tpu.memref_squeeze %dma_wait3A_207 : memref<1x128x64xf32, #tpu.memory_space<vmem>> -> memref<128x64xf32, #tpu.memory_space<vmem>>
          %dma_wait3A_209 = arith.constant 0 : i32
          %dma_wait3A_210 = arith.constant 0 : i32
          %dma_wait3A_211 = tpu.memref_slice %arg2[%dma_wait3A_209, %dma_wait3A_210] : memref<262144x64xf32, #tpu.memory_space<hbm>> -> memref<128x64xf32, #tpu.memory_space<hbm>>
          tpu.wait_dma2 semaphore(%arg18 : memref<!tpu.dma_semaphore, #tpu.memory_space<semaphore_mem>>) src(%dma_wait3A_211 : memref<128x64xf32, #tpu.memory_space<hbm>>) dst(%dma_wait3A_208 : memref<128x64xf32, #tpu.memory_space<vmem>>)
          %scan3A_212 = arith.constant 0 : i32
          %scan3A_213 = arith.constant 0 : i32
          %scan3A_214 = arith.constant 8 : i32
          %scan3A_215 = arith.addi %scan3A_213, %scan3A_214 : i32
          %scan3A_216 = arith.constant 1 : i32
          %scan3A_217 = scf.for %scan3A_219 = %scan3A_213 to %scan3A_215 step %scan3A_216 iter_args(%scan3A_220 = %scan3A_212) -> (i32)  : i32 {
            %mul3A_221 = arith.constant 128 : i32
            %mul3A_222 = arith.muli %add3A_196, %mul3A_221 : i32
            %mul3A_223 = arith.constant 16 : i32
            %mul3A_224 = arith.muli %scan3A_219, %mul3A_223 : i32
            %add3A_225 = arith.addi %mul3A_222, %mul3A_224 : i32
            %get3A = arith.index_cast %add3A_225 : i32 to index
            %get3A_226 = tpu.vector_load %arg12[%get3A] {strides = array<i32>} : memref<8320xi32, #tpu.memory_space<vmem>>, vector<16xi32>,
            %mul3A_227 = arith.constant 16 : i32
            %mul3A_228 = arith.muli %scan3A_219, %mul3A_227 : i32
            %swap3A = arith.index_cast %add3A_196 : i32 to index
            %swap3A_229 = arith.index_cast %mul3A_228 : i32 to index
            %swap3A_230 = tpu.vector_load %arg14[%swap3A, %swap3A_229] {strides = array<i32>} : memref<65x128xi32, #tpu.memory_space<vmem>>, vector<16xi32>,
            tpu.vector_store %arg14[%swap3A, %swap3A_229], %get3A_226 {strides = array<i32>} : memref<65x128xi32, #tpu.memory_space<vmem>>, vector<16xi32>,
            %scan3A_231 = arith.constant 0 : i32
            scf.yield %scan3A_231 : i32
          }
          %scan3A_218 = arith.constant 8 : i32
          %run_scoped3A = arith.constant 0 : i32
          "tpu.region"() ({
            %run_scoped3A_219 = tpu.sem_alloc : memref<!tpu.dma_semaphore, #tpu.memory_space<semaphore_mem>>
            %dma_start3A_220 = arith.constant 0 : i32
            %dma_start3A_221 = arith.constant 0 : i32
            %dma_start3A_222 = tpu.memref_slice %arg16[%run_scoped3A, %dma_start3A_220, %dma_start3A_221] : memref<3x128x64xf32, #tpu.memory_space<vmem>> -> memref<1x128x64xf32, #tpu.memory_space<vmem>>
            %dma_start3A_223 = tpu.memref_squeeze %dma_start3A_222 : memref<1x128x64xf32, #tpu.memory_space<vmem>> -> memref<128x64xf32, #tpu.memory_space<vmem>>
            %dma_start3A_224 = arith.constant 0 : i32
            %dma_start3A_225 = tpu.memref_slice %arg14[%add3A_196, %dma_start3A_224] : memref<65x128xi32, #tpu.memory_space<vmem>> -> memref<1x128xi32, #tpu.memory_space<vmem>>
            %dma_start3A_226 = tpu.memref_squeeze %dma_start3A_225 : memref<1x128xi32, #tpu.memory_space<vmem>> -> memref<128xi32, #tpu.memory_space<vmem>>
            %dma_start3A_227 = arith.constant 0 : i32
            %dma_start3A_228 = arith.constant 0 : i32
            %dma_start3A_229 = tpu.memref_slice %arg9[%dma_start3A_227, %dma_start3A_228] : memref<16512x64xf32, #tpu.memory_space<vmem_shared>> -> memref<16512x64xf32, #tpu.memory_space<vmem_shared>>
            tpu.enqueue_indirect_dma source(%dma_start3A_223 : memref<128x64xf32, #tpu.memory_space<vmem>>) target(%dma_start3A_229 : memref<16512x64xf32, #tpu.memory_space<vmem_shared>>) offsets(%dma_start3A_226 : memref<128xi32, #tpu.memory_space<vmem>>) semaphore(%run_scoped3A_219 : memref<!tpu.dma_semaphore, #tpu.memory_space<semaphore_mem>>) {add = true}
            %dma_wait3A_230 = arith.constant 0 : i32
            %dma_wait3A_231 = arith.constant 0 : i32
            %dma_wait3A_232 = tpu.memref_slice %arg16[%run_scoped3A, %dma_wait3A_230, %dma_wait3A_231] : memref<3x128x64xf32, #tpu.memory_space<vmem>> -> memref<1x128x64xf32, #tpu.memory_space<vmem>>
            %dma_wait3A_233 = tpu.memref_squeeze %dma_wait3A_232 : memref<1x128x64xf32, #tpu.memory_space<vmem>> -> memref<128x64xf32, #tpu.memory_space<vmem>>
            %dma_wait3A_234 = arith.constant 0 : i32
            %dma_wait3A_235 = tpu.memref_slice %arg14[%add3A_196, %dma_wait3A_234] : memref<65x128xi32, #tpu.memory_space<vmem>> -> memref<1x128xi32, #tpu.memory_space<vmem>>
            %dma_wait3A_236 = tpu.memref_squeeze %dma_wait3A_235 : memref<1x128xi32, #tpu.memory_space<vmem>> -> memref<128xi32, #tpu.memory_space<vmem>>
            %dma_wait3A_237 = arith.constant 0 : i32
            %dma_wait3A_238 = arith.constant 0 : i32
            %dma_wait3A_239 = tpu.memref_slice %arg9[%dma_wait3A_237, %dma_wait3A_238] : memref<16512x64xf32, #tpu.memory_space<vmem_shared>> -> memref<16512x64xf32, #tpu.memory_space<vmem_shared>>
            tpu.wait_indirect_dma semaphore(%run_scoped3A_219 : memref<!tpu.dma_semaphore, #tpu.memory_space<semaphore_mem>>) src(%dma_wait3A_233 : memref<128x64xf32, #tpu.memory_space<vmem>>) dst(%dma_wait3A_239 : memref<16512x64xf32, #tpu.memory_space<vmem_shared>>)
            tpu.yield
          }) : () -> ()
          "tpu.region"() ({
            %run_scoped3A_219 = tpu.sem_alloc : memref<!tpu.dma_semaphore, #tpu.memory_space<semaphore_mem>>
            %dma_start3A_220 = arith.constant 0 : i32
            %dma_start3A_221 = tpu.memref_slice %arg14[%add3A_196, %dma_start3A_220] : memref<65x128xi32, #tpu.memory_space<vmem>> -> memref<1x128xi32, #tpu.memory_space<vmem>>
            %dma_start3A_222 = tpu.memref_squeeze %dma_start3A_221 : memref<1x128xi32, #tpu.memory_space<vmem>> -> memref<128xi32, #tpu.memory_space<vmem>>
            %dma_start3A_223 = arith.constant 0 : i32
            %dma_start3A_224 = tpu.memref_slice %arg10[%dma_start3A_223] : memref<16512xf32, #tpu.memory_space<vmem_shared>> -> memref<16512xf32, #tpu.memory_space<vmem_shared>>
            tpu.enqueue_indirect_dma source(%arg15 : memref<128xf32, #tpu.memory_space<vmem>>) target(%dma_start3A_224 : memref<16512xf32, #tpu.memory_space<vmem_shared>>) offsets(%dma_start3A_222 : memref<128xi32, #tpu.memory_space<vmem>>) semaphore(%run_scoped3A_219 : memref<!tpu.dma_semaphore, #tpu.memory_space<semaphore_mem>>) {add = true}
            %dma_wait3A_225 = arith.constant 0 : i32
            %dma_wait3A_226 = tpu.memref_slice %arg14[%add3A_196, %dma_wait3A_225] : memref<65x128xi32, #tpu.memory_space<vmem>> -> memref<1x128xi32, #tpu.memory_space<vmem>>
            %dma_wait3A_227 = tpu.memref_squeeze %dma_wait3A_226 : memref<1x128xi32, #tpu.memory_space<vmem>> -> memref<128xi32, #tpu.memory_space<vmem>>
            %dma_wait3A_228 = arith.constant 0 : i32
            %dma_wait3A_229 = tpu.memref_slice %arg10[%dma_wait3A_228] : memref<16512xf32, #tpu.memory_space<vmem_shared>> -> memref<16512xf32, #tpu.memory_space<vmem_shared>>
            tpu.wait_indirect_dma semaphore(%run_scoped3A_219 : memref<!tpu.dma_semaphore, #tpu.memory_space<semaphore_mem>>) src(%arg15 : memref<128xf32, #tpu.memory_space<vmem>>) dst(%dma_wait3A_229 : memref<16512xf32, #tpu.memory_space<vmem_shared>>)
            tpu.yield
          }) : () -> ()
        } else {
        }
        %add3A_158 = arith.constant 1 : i32
        %add3A_159 = arith.addi %mul3A_152, %add3A_158 : i32
        %lt3A_160 = arith.cmpi slt, %add3A_159, %select_n3A_88 : i32
        %convert_element_type3A_161 = arith.extui %lt3A_160 : i1 to i32
        %cond3A_162 = arith.constant 0 : i32
        %cond3A_163 = arith.cmpi ne, %convert_element_type3A_161, %cond3A_162 : i32
        scf.if %cond3A_163 {
          %add3A_195 = arith.constant 1 : i32
          %add3A_196 = arith.addi %mul3A_152, %add3A_195 : i32
          %dma_wait3A_197 = arith.constant 1 : i32
          %dma_wait3A_198 = arith.constant 0 : i32
          %dma_wait3A_199 = arith.constant 0 : i32
          %dma_wait3A_200 = tpu.memref_slice %arg16[%dma_wait3A_197, %dma_wait3A_198, %dma_wait3A_199] : memref<3x128x64xf32, #tpu.memory_space<vmem>> -> memref<1x128x64xf32, #tpu.memory_space<vmem>>
          %dma_wait3A_201 = tpu.memref_squeeze %dma_wait3A_200 : memref<1x128x64xf32, #tpu.memory_space<vmem>> -> memref<128x64xf32, #tpu.memory_space<vmem>>
          %dma_wait3A_202 = arith.constant 0 : i32
          %dma_wait3A_203 = arith.constant 0 : i32
          %dma_wait3A_204 = tpu.memref_slice %arg2[%dma_wait3A_202, %dma_wait3A_203] : memref<262144x64xf32, #tpu.memory_space<hbm>> -> memref<128x64xf32, #tpu.memory_space<hbm>>
          %dma_wait3A_205 = arith.constant 0 : i32
          %dma_wait3A_206 = arith.constant 0 : i32
          %dma_wait3A_207 = tpu.memref_slice %arg16[%dma_wait3A_197, %dma_wait3A_205, %dma_wait3A_206] : memref<3x128x64xf32, #tpu.memory_space<vmem>> -> memref<1x128x64xf32, #tpu.memory_space<vmem>>
          %dma_wait3A_208 = tpu.memref_squeeze %dma_wait3A_207 : memref<1x128x64xf32, #tpu.memory_space<vmem>> -> memref<128x64xf32, #tpu.memory_space<vmem>>
          %dma_wait3A_209 = arith.constant 0 : i32
          %dma_wait3A_210 = arith.constant 0 : i32
          %dma_wait3A_211 = tpu.memref_slice %arg2[%dma_wait3A_209, %dma_wait3A_210] : memref<262144x64xf32, #tpu.memory_space<hbm>> -> memref<128x64xf32, #tpu.memory_space<hbm>>
          tpu.wait_dma2 semaphore(%arg19 : memref<!tpu.dma_semaphore, #tpu.memory_space<semaphore_mem>>) src(%dma_wait3A_211 : memref<128x64xf32, #tpu.memory_space<hbm>>) dst(%dma_wait3A_208 : memref<128x64xf32, #tpu.memory_space<vmem>>)
          %scan3A_212 = arith.constant 0 : i32
          %scan3A_213 = arith.constant 0 : i32
          %scan3A_214 = arith.constant 8 : i32
          %scan3A_215 = arith.addi %scan3A_213, %scan3A_214 : i32
          %scan3A_216 = arith.constant 1 : i32
          %scan3A_217 = scf.for %scan3A_219 = %scan3A_213 to %scan3A_215 step %scan3A_216 iter_args(%scan3A_220 = %scan3A_212) -> (i32)  : i32 {
            %mul3A_221 = arith.constant 128 : i32
            %mul3A_222 = arith.muli %add3A_196, %mul3A_221 : i32
            %mul3A_223 = arith.constant 16 : i32
            %mul3A_224 = arith.muli %scan3A_219, %mul3A_223 : i32
            %add3A_225 = arith.addi %mul3A_222, %mul3A_224 : i32
            %get3A = arith.index_cast %add3A_225 : i32 to index
            %get3A_226 = tpu.vector_load %arg12[%get3A] {strides = array<i32>} : memref<8320xi32, #tpu.memory_space<vmem>>, vector<16xi32>,
            %mul3A_227 = arith.constant 16 : i32
            %mul3A_228 = arith.muli %scan3A_219, %mul3A_227 : i32
            %swap3A = arith.index_cast %add3A_196 : i32 to index
            %swap3A_229 = arith.index_cast %mul3A_228 : i32 to index
            %swap3A_230 = tpu.vector_load %arg14[%swap3A, %swap3A_229] {strides = array<i32>} : memref<65x128xi32, #tpu.memory_space<vmem>>, vector<16xi32>,
            tpu.vector_store %arg14[%swap3A, %swap3A_229], %get3A_226 {strides = array<i32>} : memref<65x128xi32, #tpu.memory_space<vmem>>, vector<16xi32>,
            %scan3A_231 = arith.constant 0 : i32
            scf.yield %scan3A_231 : i32
          }
          %scan3A_218 = arith.constant 8 : i32
          %run_scoped3A = arith.constant 1 : i32
          "tpu.region"() ({
            %run_scoped3A_219 = tpu.sem_alloc : memref<!tpu.dma_semaphore, #tpu.memory_space<semaphore_mem>>
            %dma_start3A_220 = arith.constant 0 : i32
            %dma_start3A_221 = arith.constant 0 : i32
            %dma_start3A_222 = tpu.memref_slice %arg16[%run_scoped3A, %dma_start3A_220, %dma_start3A_221] : memref<3x128x64xf32, #tpu.memory_space<vmem>> -> memref<1x128x64xf32, #tpu.memory_space<vmem>>
            %dma_start3A_223 = tpu.memref_squeeze %dma_start3A_222 : memref<1x128x64xf32, #tpu.memory_space<vmem>> -> memref<128x64xf32, #tpu.memory_space<vmem>>
            %dma_start3A_224 = arith.constant 0 : i32
            %dma_start3A_225 = tpu.memref_slice %arg14[%add3A_196, %dma_start3A_224] : memref<65x128xi32, #tpu.memory_space<vmem>> -> memref<1x128xi32, #tpu.memory_space<vmem>>
            %dma_start3A_226 = tpu.memref_squeeze %dma_start3A_225 : memref<1x128xi32, #tpu.memory_space<vmem>> -> memref<128xi32, #tpu.memory_space<vmem>>
            %dma_start3A_227 = arith.constant 0 : i32
            %dma_start3A_228 = arith.constant 0 : i32
            %dma_start3A_229 = tpu.memref_slice %arg9[%dma_start3A_227, %dma_start3A_228] : memref<16512x64xf32, #tpu.memory_space<vmem_shared>> -> memref<16512x64xf32, #tpu.memory_space<vmem_shared>>
            tpu.enqueue_indirect_dma source(%dma_start3A_223 : memref<128x64xf32, #tpu.memory_space<vmem>>) target(%dma_start3A_229 : memref<16512x64xf32, #tpu.memory_space<vmem_shared>>) offsets(%dma_start3A_226 : memref<128xi32, #tpu.memory_space<vmem>>) semaphore(%run_scoped3A_219 : memref<!tpu.dma_semaphore, #tpu.memory_space<semaphore_mem>>) {add = true}
            %dma_wait3A_230 = arith.constant 0 : i32
            %dma_wait3A_231 = arith.constant 0 : i32
            %dma_wait3A_232 = tpu.memref_slice %arg16[%run_scoped3A, %dma_wait3A_230, %dma_wait3A_231] : memref<3x128x64xf32, #tpu.memory_space<vmem>> -> memref<1x128x64xf32, #tpu.memory_space<vmem>>
            %dma_wait3A_233 = tpu.memref_squeeze %dma_wait3A_232 : memref<1x128x64xf32, #tpu.memory_space<vmem>> -> memref<128x64xf32, #tpu.memory_space<vmem>>
            %dma_wait3A_234 = arith.constant 0 : i32
            %dma_wait3A_235 = tpu.memref_slice %arg14[%add3A_196, %dma_wait3A_234] : memref<65x128xi32, #tpu.memory_space<vmem>> -> memref<1x128xi32, #tpu.memory_space<vmem>>
            %dma_wait3A_236 = tpu.memref_squeeze %dma_wait3A_235 : memref<1x128xi32, #tpu.memory_space<vmem>> -> memref<128xi32, #tpu.memory_space<vmem>>
            %dma_wait3A_237 = arith.constant 0 : i32
            %dma_wait3A_238 = arith.constant 0 : i32
            %dma_wait3A_239 = tpu.memref_slice %arg9[%dma_wait3A_237, %dma_wait3A_238] : memref<16512x64xf32, #tpu.memory_space<vmem_shared>> -> memref<16512x64xf32, #tpu.memory_space<vmem_shared>>
            tpu.wait_indirect_dma semaphore(%run_scoped3A_219 : memref<!tpu.dma_semaphore, #tpu.memory_space<semaphore_mem>>) src(%dma_wait3A_233 : memref<128x64xf32, #tpu.memory_space<vmem>>) dst(%dma_wait3A_239 : memref<16512x64xf32, #tpu.memory_space<vmem_shared>>)
            tpu.yield
          }) : () -> ()
          "tpu.region"() ({
            %run_scoped3A_219 = tpu.sem_alloc : memref<!tpu.dma_semaphore, #tpu.memory_space<semaphore_mem>>
            %dma_start3A_220 = arith.constant 0 : i32
            %dma_start3A_221 = tpu.memref_slice %arg14[%add3A_196, %dma_start3A_220] : memref<65x128xi32, #tpu.memory_space<vmem>> -> memref<1x128xi32, #tpu.memory_space<vmem>>
            %dma_start3A_222 = tpu.memref_squeeze %dma_start3A_221 : memref<1x128xi32, #tpu.memory_space<vmem>> -> memref<128xi32, #tpu.memory_space<vmem>>
            %dma_start3A_223 = arith.constant 0 : i32
            %dma_start3A_224 = tpu.memref_slice %arg10[%dma_start3A_223] : memref<16512xf32, #tpu.memory_space<vmem_shared>> -> memref<16512xf32, #tpu.memory_space<vmem_shared>>
            tpu.enqueue_indirect_dma source(%arg15 : memref<128xf32, #tpu.memory_space<vmem>>) target(%dma_start3A_224 : memref<16512xf32, #tpu.memory_space<vmem_shared>>) offsets(%dma_start3A_222 : memref<128xi32, #tpu.memory_space<vmem>>) semaphore(%run_scoped3A_219 : memref<!tpu.dma_semaphore, #tpu.memory_space<semaphore_mem>>) {add = true}
            %dma_wait3A_225 = arith.constant 0 : i32
            %dma_wait3A_226 = tpu.memref_slice %arg14[%add3A_196, %dma_wait3A_225] : memref<65x128xi32, #tpu.memory_space<vmem>> -> memref<1x128xi32, #tpu.memory_space<vmem>>
            %dma_wait3A_227 = tpu.memref_squeeze %dma_wait3A_226 : memref<1x128xi32, #tpu.memory_space<vmem>> -> memref<128xi32, #tpu.memory_space<vmem>>
            %dma_wait3A_228 = arith.constant 0 : i32
            %dma_wait3A_229 = tpu.memref_slice %arg10[%dma_wait3A_228] : memref<16512xf32, #tpu.memory_space<vmem_shared>> -> memref<16512xf32, #tpu.memory_space<vmem_shared>>
            tpu.wait_indirect_dma semaphore(%run_scoped3A_219 : memref<!tpu.dma_semaphore, #tpu.memory_space<semaphore_mem>>) src(%arg15 : memref<128xf32, #tpu.memory_space<vmem>>) dst(%dma_wait3A_229 : memref<16512xf32, #tpu.memory_space<vmem_shared>>)
            tpu.yield
          }) : () -> ()
        } else {
        }
        %add3A_164 = arith.constant 2 : i32
        %add3A_165 = arith.addi %mul3A_152, %add3A_164 : i32
        %lt3A_166 = arith.cmpi slt, %add3A_165, %select_n3A_88 : i32
        %convert_element_type3A_167 = arith.extui %lt3A_166 : i1 to i32
        %cond3A_168 = arith.constant 0 : i32
        %cond3A_169 = arith.cmpi ne, %convert_element_type3A_167, %cond3A_168 : i32
        scf.if %cond3A_169 {
          %add3A_195 = arith.constant 2 : i32
          %add3A_196 = arith.addi %mul3A_152, %add3A_195 : i32
          %dma_wait3A_197 = arith.constant 2 : i32
          %dma_wait3A_198 = arith.constant 0 : i32
          %dma_wait3A_199 = arith.constant 0 : i32
          %dma_wait3A_200 = tpu.memref_slice %arg16[%dma_wait3A_197, %dma_wait3A_198, %dma_wait3A_199] : memref<3x128x64xf32, #tpu.memory_space<vmem>> -> memref<1x128x64xf32, #tpu.memory_space<vmem>>
          %dma_wait3A_201 = tpu.memref_squeeze %dma_wait3A_200 : memref<1x128x64xf32, #tpu.memory_space<vmem>> -> memref<128x64xf32, #tpu.memory_space<vmem>>
          %dma_wait3A_202 = arith.constant 0 : i32
          %dma_wait3A_203 = arith.constant 0 : i32
          %dma_wait3A_204 = tpu.memref_slice %arg2[%dma_wait3A_202, %dma_wait3A_203] : memref<262144x64xf32, #tpu.memory_space<hbm>> -> memref<128x64xf32, #tpu.memory_space<hbm>>
          %dma_wait3A_205 = arith.constant 0 : i32
          %dma_wait3A_206 = arith.constant 0 : i32
          %dma_wait3A_207 = tpu.memref_slice %arg16[%dma_wait3A_197, %dma_wait3A_205, %dma_wait3A_206] : memref<3x128x64xf32, #tpu.memory_space<vmem>> -> memref<1x128x64xf32, #tpu.memory_space<vmem>>
          %dma_wait3A_208 = tpu.memref_squeeze %dma_wait3A_207 : memref<1x128x64xf32, #tpu.memory_space<vmem>> -> memref<128x64xf32, #tpu.memory_space<vmem>>
          %dma_wait3A_209 = arith.constant 0 : i32
          %dma_wait3A_210 = arith.constant 0 : i32
          %dma_wait3A_211 = tpu.memref_slice %arg2[%dma_wait3A_209, %dma_wait3A_210] : memref<262144x64xf32, #tpu.memory_space<hbm>> -> memref<128x64xf32, #tpu.memory_space<hbm>>
          tpu.wait_dma2 semaphore(%arg20 : memref<!tpu.dma_semaphore, #tpu.memory_space<semaphore_mem>>) src(%dma_wait3A_211 : memref<128x64xf32, #tpu.memory_space<hbm>>) dst(%dma_wait3A_208 : memref<128x64xf32, #tpu.memory_space<vmem>>)
          %scan3A_212 = arith.constant 0 : i32
          %scan3A_213 = arith.constant 0 : i32
          %scan3A_214 = arith.constant 8 : i32
          %scan3A_215 = arith.addi %scan3A_213, %scan3A_214 : i32
          %scan3A_216 = arith.constant 1 : i32
          %scan3A_217 = scf.for %scan3A_219 = %scan3A_213 to %scan3A_215 step %scan3A_216 iter_args(%scan3A_220 = %scan3A_212) -> (i32)  : i32 {
            %mul3A_221 = arith.constant 128 : i32
            %mul3A_222 = arith.muli %add3A_196, %mul3A_221 : i32
            %mul3A_223 = arith.constant 16 : i32
            %mul3A_224 = arith.muli %scan3A_219, %mul3A_223 : i32
            %add3A_225 = arith.addi %mul3A_222, %mul3A_224 : i32
            %get3A = arith.index_cast %add3A_225 : i32 to index
            %get3A_226 = tpu.vector_load %arg12[%get3A] {strides = array<i32>} : memref<8320xi32, #tpu.memory_space<vmem>>, vector<16xi32>,
            %mul3A_227 = arith.constant 16 : i32
            %mul3A_228 = arith.muli %scan3A_219, %mul3A_227 : i32
            %swap3A = arith.index_cast %add3A_196 : i32 to index
            %swap3A_229 = arith.index_cast %mul3A_228 : i32 to index
            %swap3A_230 = tpu.vector_load %arg14[%swap3A, %swap3A_229] {strides = array<i32>} : memref<65x128xi32, #tpu.memory_space<vmem>>, vector<16xi32>,
            tpu.vector_store %arg14[%swap3A, %swap3A_229], %get3A_226 {strides = array<i32>} : memref<65x128xi32, #tpu.memory_space<vmem>>, vector<16xi32>,
            %scan3A_231 = arith.constant 0 : i32
            scf.yield %scan3A_231 : i32
          }
          %scan3A_218 = arith.constant 8 : i32
          %run_scoped3A = arith.constant 2 : i32
          "tpu.region"() ({
            %run_scoped3A_219 = tpu.sem_alloc : memref<!tpu.dma_semaphore, #tpu.memory_space<semaphore_mem>>
            %dma_start3A_220 = arith.constant 0 : i32
            %dma_start3A_221 = arith.constant 0 : i32
            %dma_start3A_222 = tpu.memref_slice %arg16[%run_scoped3A, %dma_start3A_220, %dma_start3A_221] : memref<3x128x64xf32, #tpu.memory_space<vmem>> -> memref<1x128x64xf32, #tpu.memory_space<vmem>>
            %dma_start3A_223 = tpu.memref_squeeze %dma_start3A_222 : memref<1x128x64xf32, #tpu.memory_space<vmem>> -> memref<128x64xf32, #tpu.memory_space<vmem>>
            %dma_start3A_224 = arith.constant 0 : i32
            %dma_start3A_225 = tpu.memref_slice %arg14[%add3A_196, %dma_start3A_224] : memref<65x128xi32, #tpu.memory_space<vmem>> -> memref<1x128xi32, #tpu.memory_space<vmem>>
            %dma_start3A_226 = tpu.memref_squeeze %dma_start3A_225 : memref<1x128xi32, #tpu.memory_space<vmem>> -> memref<128xi32, #tpu.memory_space<vmem>>
            %dma_start3A_227 = arith.constant 0 : i32
            %dma_start3A_228 = arith.constant 0 : i32
            %dma_start3A_229 = tpu.memref_slice %arg9[%dma_start3A_227, %dma_start3A_228] : memref<16512x64xf32, #tpu.memory_space<vmem_shared>> -> memref<16512x64xf32, #tpu.memory_space<vmem_shared>>
            tpu.enqueue_indirect_dma source(%dma_start3A_223 : memref<128x64xf32, #tpu.memory_space<vmem>>) target(%dma_start3A_229 : memref<16512x64xf32, #tpu.memory_space<vmem_shared>>) offsets(%dma_start3A_226 : memref<128xi32, #tpu.memory_space<vmem>>) semaphore(%run_scoped3A_219 : memref<!tpu.dma_semaphore, #tpu.memory_space<semaphore_mem>>) {add = true}
            %dma_wait3A_230 = arith.constant 0 : i32
            %dma_wait3A_231 = arith.constant 0 : i32
            %dma_wait3A_232 = tpu.memref_slice %arg16[%run_scoped3A, %dma_wait3A_230, %dma_wait3A_231] : memref<3x128x64xf32, #tpu.memory_space<vmem>> -> memref<1x128x64xf32, #tpu.memory_space<vmem>>
            %dma_wait3A_233 = tpu.memref_squeeze %dma_wait3A_232 : memref<1x128x64xf32, #tpu.memory_space<vmem>> -> memref<128x64xf32, #tpu.memory_space<vmem>>
            %dma_wait3A_234 = arith.constant 0 : i32
            %dma_wait3A_235 = tpu.memref_slice %arg14[%add3A_196, %dma_wait3A_234] : memref<65x128xi32, #tpu.memory_space<vmem>> -> memref<1x128xi32, #tpu.memory_space<vmem>>
            %dma_wait3A_236 = tpu.memref_squeeze %dma_wait3A_235 : memref<1x128xi32, #tpu.memory_space<vmem>> -> memref<128xi32, #tpu.memory_space<vmem>>
            %dma_wait3A_237 = arith.constant 0 : i32
            %dma_wait3A_238 = arith.constant 0 : i32
            %dma_wait3A_239 = tpu.memref_slice %arg9[%dma_wait3A_237, %dma_wait3A_238] : memref<16512x64xf32, #tpu.memory_space<vmem_shared>> -> memref<16512x64xf32, #tpu.memory_space<vmem_shared>>
            tpu.wait_indirect_dma semaphore(%run_scoped3A_219 : memref<!tpu.dma_semaphore, #tpu.memory_space<semaphore_mem>>) src(%dma_wait3A_233 : memref<128x64xf32, #tpu.memory_space<vmem>>) dst(%dma_wait3A_239 : memref<16512x64xf32, #tpu.memory_space<vmem_shared>>)
            tpu.yield
          }) : () -> ()
          "tpu.region"() ({
            %run_scoped3A_219 = tpu.sem_alloc : memref<!tpu.dma_semaphore, #tpu.memory_space<semaphore_mem>>
            %dma_start3A_220 = arith.constant 0 : i32
            %dma_start3A_221 = tpu.memref_slice %arg14[%add3A_196, %dma_start3A_220] : memref<65x128xi32, #tpu.memory_space<vmem>> -> memref<1x128xi32, #tpu.memory_space<vmem>>
            %dma_start3A_222 = tpu.memref_squeeze %dma_start3A_221 : memref<1x128xi32, #tpu.memory_space<vmem>> -> memref<128xi32, #tpu.memory_space<vmem>>
            %dma_start3A_223 = arith.constant 0 : i32
            %dma_start3A_224 = tpu.memref_slice %arg10[%dma_start3A_223] : memref<16512xf32, #tpu.memory_space<vmem_shared>> -> memref<16512xf32, #tpu.memory_space<vmem_shared>>
            tpu.enqueue_indirect_dma source(%arg15 : memref<128xf32, #tpu.memory_space<vmem>>) target(%dma_start3A_224 : memref<16512xf32, #tpu.memory_space<vmem_shared>>) offsets(%dma_start3A_222 : memref<128xi32, #tpu.memory_space<vmem>>) semaphore(%run_scoped3A_219 : memref<!tpu.dma_semaphore, #tpu.memory_space<semaphore_mem>>) {add = true}
            %dma_wait3A_225 = arith.constant 0 : i32
            %dma_wait3A_226 = tpu.memref_slice %arg14[%add3A_196, %dma_wait3A_225] : memref<65x128xi32, #tpu.memory_space<vmem>> -> memref<1x128xi32, #tpu.memory_space<vmem>>
            %dma_wait3A_227 = tpu.memref_squeeze %dma_wait3A_226 : memref<1x128xi32, #tpu.memory_space<vmem>> -> memref<128xi32, #tpu.memory_space<vmem>>
            %dma_wait3A_228 = arith.constant 0 : i32
            %dma_wait3A_229 = tpu.memref_slice %arg10[%dma_wait3A_228] : memref<16512xf32, #tpu.memory_space<vmem_shared>> -> memref<16512xf32, #tpu.memory_space<vmem_shared>>
            tpu.wait_indirect_dma semaphore(%run_scoped3A_219 : memref<!tpu.dma_semaphore, #tpu.memory_space<semaphore_mem>>) src(%arg15 : memref<128xf32, #tpu.memory_space<vmem>>) dst(%dma_wait3A_229 : memref<16512xf32, #tpu.memory_space<vmem_shared>>)
            tpu.yield
          }) : () -> ()
        } else {
        }
        %add3A_170 = arith.constant 0 : i32
        %add3A_171 = arith.addi %mul3A_152, %add3A_170 : i32
        %add3A_172 = arith.constant 3 : i32
        %add3A_173 = arith.addi %add3A_171, %add3A_172 : i32
        %lt3A_174 = arith.cmpi slt, %add3A_173, %select_n3A_88 : i32
        %convert_element_type3A_175 = arith.extui %lt3A_174 : i1 to i32
        %cond3A_176 = arith.constant 0 : i32
        %cond3A_177 = arith.cmpi ne, %convert_element_type3A_175, %cond3A_176 : i32
        scf.if %cond3A_177 {
          %add3A_195 = arith.constant 0 : i32
          %add3A_196 = arith.addi %mul3A_152, %add3A_195 : i32
          %add3A_197 = arith.constant 3 : i32
          %add3A_198 = arith.addi %add3A_196, %add3A_197 : i32
          %mul3A_199 = arith.constant 128 : i32
          %mul3A_200 = arith.muli %add3A_198, %mul3A_199 : i32
          %dma_start3A_201 = arith.constant 0 : i32
          %dma_start3A_202 = arith.constant 0 : i32
          %dma_start3A_203 = arith.constant 0 : i32
          %dma_start3A_204 = tpu.memref_slice %arg16[%dma_start3A_201, %dma_start3A_202, %dma_start3A_203] : memref<3x128x64xf32, #tpu.memory_space<vmem>> -> memref<1x128x64xf32, #tpu.memory_space<vmem>>
          %dma_start3A_205 = tpu.memref_squeeze %dma_start3A_204 : memref<1x128x64xf32, #tpu.memory_space<vmem>> -> memref<128x64xf32, #tpu.memory_space<vmem>>
          %dma_start3A_206 = tpu.memref_slice %arg13[%mul3A_200] : memref<8320xi32, #tpu.memory_space<vmem>> -> memref<128xi32, #tpu.memory_space<vmem>>
          %dma_start3A_207 = arith.constant 0 : i32
          %dma_start3A_208 = arith.constant 0 : i32
          %dma_start3A_209 = tpu.memref_slice %arg2[%dma_start3A_207, %dma_start3A_208] : memref<262144x64xf32, #tpu.memory_space<hbm>> -> memref<262144x64xf32, #tpu.memory_space<hbm>>
          tpu.enqueue_indirect_dma source(%dma_start3A_209 : memref<262144x64xf32, #tpu.memory_space<hbm>>) target(%dma_start3A_205 : memref<128x64xf32, #tpu.memory_space<vmem>>) offsets(%dma_start3A_206 : memref<128xi32, #tpu.memory_space<vmem>>) semaphore(%arg18 : memref<!tpu.dma_semaphore, #tpu.memory_space<semaphore_mem>>)
        } else {
        }
        %add3A_178 = arith.constant 1 : i32
        %add3A_179 = arith.addi %mul3A_152, %add3A_178 : i32
        %add3A_180 = arith.constant 3 : i32
        %add3A_181 = arith.addi %add3A_179, %add3A_180 : i32
        %lt3A_182 = arith.cmpi slt, %add3A_181, %select_n3A_88 : i32
        %convert_element_type3A_183 = arith.extui %lt3A_182 : i1 to i32
        %cond3A_184 = arith.constant 0 : i32
        %cond3A_185 = arith.cmpi ne, %convert_element_type3A_183, %cond3A_184 : i32
        scf.if %cond3A_185 {
          %add3A_195 = arith.constant 1 : i32
          %add3A_196 = arith.addi %mul3A_152, %add3A_195 : i32
          %add3A_197 = arith.constant 3 : i32
          %add3A_198 = arith.addi %add3A_196, %add3A_197 : i32
          %mul3A_199 = arith.constant 128 : i32
          %mul3A_200 = arith.muli %add3A_198, %mul3A_199 : i32
          %dma_start3A_201 = arith.constant 1 : i32
          %dma_start3A_202 = arith.constant 0 : i32
          %dma_start3A_203 = arith.constant 0 : i32
          %dma_start3A_204 = tpu.memref_slice %arg16[%dma_start3A_201, %dma_start3A_202, %dma_start3A_203] : memref<3x128x64xf32, #tpu.memory_space<vmem>> -> memref<1x128x64xf32, #tpu.memory_space<vmem>>
          %dma_start3A_205 = tpu.memref_squeeze %dma_start3A_204 : memref<1x128x64xf32, #tpu.memory_space<vmem>> -> memref<128x64xf32, #tpu.memory_space<vmem>>
          %dma_start3A_206 = tpu.memref_slice %arg13[%mul3A_200] : memref<8320xi32, #tpu.memory_space<vmem>> -> memref<128xi32, #tpu.memory_space<vmem>>
          %dma_start3A_207 = arith.constant 0 : i32
          %dma_start3A_208 = arith.constant 0 : i32
          %dma_start3A_209 = tpu.memref_slice %arg2[%dma_start3A_207, %dma_start3A_208] : memref<262144x64xf32, #tpu.memory_space<hbm>> -> memref<262144x64xf32, #tpu.memory_space<hbm>>
          tpu.enqueue_indirect_dma source(%dma_start3A_209 : memref<262144x64xf32, #tpu.memory_space<hbm>>) target(%dma_start3A_205 : memref<128x64xf32, #tpu.memory_space<vmem>>) offsets(%dma_start3A_206 : memref<128xi32, #tpu.memory_space<vmem>>) semaphore(%arg19 : memref<!tpu.dma_semaphore, #tpu.memory_space<semaphore_mem>>)
        } else {
        }
        %add3A_186 = arith.constant 2 : i32
        %add3A_187 = arith.addi %mul3A_152, %add3A_186 : i32
        %add3A_188 = arith.constant 3 : i32
        %add3A_189 = arith.addi %add3A_187, %add3A_188 : i32
        %lt3A_190 = arith.cmpi slt, %add3A_189, %select_n3A_88 : i32
        %convert_element_type3A_191 = arith.extui %lt3A_190 : i1 to i32
        %cond3A_192 = arith.constant 0 : i32
        %cond3A_193 = arith.cmpi ne, %convert_element_type3A_191, %cond3A_192 : i32
        scf.if %cond3A_193 {
          %add3A_195 = arith.constant 2 : i32
          %add3A_196 = arith.addi %mul3A_152, %add3A_195 : i32
          %add3A_197 = arith.constant 3 : i32
          %add3A_198 = arith.addi %add3A_196, %add3A_197 : i32
          %mul3A_199 = arith.constant 128 : i32
          %mul3A_200 = arith.muli %add3A_198, %mul3A_199 : i32
          %dma_start3A_201 = arith.constant 2 : i32
          %dma_start3A_202 = arith.constant 0 : i32
          %dma_start3A_203 = arith.constant 0 : i32
          %dma_start3A_204 = tpu.memref_slice %arg16[%dma_start3A_201, %dma_start3A_202, %dma_start3A_203] : memref<3x128x64xf32, #tpu.memory_space<vmem>> -> memref<1x128x64xf32, #tpu.memory_space<vmem>>
          %dma_start3A_205 = tpu.memref_squeeze %dma_start3A_204 : memref<1x128x64xf32, #tpu.memory_space<vmem>> -> memref<128x64xf32, #tpu.memory_space<vmem>>
          %dma_start3A_206 = tpu.memref_slice %arg13[%mul3A_200] : memref<8320xi32, #tpu.memory_space<vmem>> -> memref<128xi32, #tpu.memory_space<vmem>>
          %dma_start3A_207 = arith.constant 0 : i32
          %dma_start3A_208 = arith.constant 0 : i32
          %dma_start3A_209 = tpu.memref_slice %arg2[%dma_start3A_207, %dma_start3A_208] : memref<262144x64xf32, #tpu.memory_space<hbm>> -> memref<262144x64xf32, #tpu.memory_space<hbm>>
          tpu.enqueue_indirect_dma source(%dma_start3A_209 : memref<262144x64xf32, #tpu.memory_space<hbm>>) target(%dma_start3A_205 : memref<128x64xf32, #tpu.memory_space<vmem>>) offsets(%dma_start3A_206 : memref<128xi32, #tpu.memory_space<vmem>>) semaphore(%arg20 : memref<!tpu.dma_semaphore, #tpu.memory_space<semaphore_mem>>)
        } else {
        }
        %while3A_194 = arith.constant 0 : i32
        scf.yield %while3A_194 : i32
      }
      %barrier3A_142 = arith.constant 0 : index
      tpu.barrier barrier_id(%barrier3A_142)
      %mul3A_143 = arith.constant 1024 : i32
      %mul3A_144 = arith.muli %arg1, %mul3A_143 : i32
      %add3A_145 = arith.addi %mul3A_42, %mul3A_144 : i32
      "tpu.region"() ({
        %run_scoped3A = tpu.sem_alloc : memref<!tpu.dma_semaphore, #tpu.memory_space<semaphore_mem>>
        %dma_start3A_149 = arith.constant 0 : i32
        %dma_start3A_150 = tpu.memref_slice %arg7[%arg0, %add3A_145, %dma_start3A_149] : memref<2x262144x64xf32, #tpu.memory_space<hbm>> -> memref<1x1024x64xf32, #tpu.memory_space<hbm>>
        %dma_start3A_151 = tpu.memref_squeeze %dma_start3A_150 : memref<1x1024x64xf32, #tpu.memory_space<hbm>> -> memref<1024x64xf32, #tpu.memory_space<hbm>>
        %dma_start3A_152 = arith.constant 0 : i32
        %dma_start3A_153 = tpu.memref_slice %arg9[%mul3A_144, %dma_start3A_152] : memref<16512x64xf32, #tpu.memory_space<vmem_shared>> -> memref<1024x64xf32, #tpu.memory_space<vmem_shared>>
        tpu.enqueue_dma source(%dma_start3A_153 : memref<1024x64xf32, #tpu.memory_space<vmem_shared>>) target(%dma_start3A_151 : memref<1024x64xf32, #tpu.memory_space<hbm>>) target_semaphore(%run_scoped3A : memref<!tpu.dma_semaphore, #tpu.memory_space<semaphore_mem>>)
        %dma_wait3A_154 = arith.constant 0 : i32
        %dma_wait3A_155 = tpu.memref_slice %arg7[%arg0, %add3A_145, %dma_wait3A_154] : memref<2x262144x64xf32, #tpu.memory_space<hbm>> -> memref<1x1024x64xf32, #tpu.memory_space<hbm>>
        %dma_wait3A_156 = tpu.memref_squeeze %dma_wait3A_155 : memref<1x1024x64xf32, #tpu.memory_space<hbm>> -> memref<1024x64xf32, #tpu.memory_space<hbm>>
        %dma_wait3A_157 = arith.constant 0 : i32
        %dma_wait3A_158 = tpu.memref_slice %arg9[%mul3A_144, %dma_wait3A_157] : memref<16512x64xf32, #tpu.memory_space<vmem_shared>> -> memref<1024x64xf32, #tpu.memory_space<vmem_shared>>
        tpu.wait_dma2 semaphore(%run_scoped3A : memref<!tpu.dma_semaphore, #tpu.memory_space<semaphore_mem>>) src(%dma_wait3A_158 : memref<1024x64xf32, #tpu.memory_space<vmem_shared>>) dst(%dma_wait3A_156 : memref<1024x64xf32, #tpu.memory_space<hbm>>)
        tpu.yield
      }) : () -> ()
      %add3A_146 = arith.addi %mul3A_42, %mul3A_144 : i32
      "tpu.region"() ({
        %run_scoped3A = tpu.sem_alloc : memref<!tpu.dma_semaphore, #tpu.memory_space<semaphore_mem>>
        %dma_start3A_149 = tpu.memref_slice %arg8[%arg0, %add3A_146] : memref<2x262144xf32, #tpu.memory_space<hbm>> -> memref<1x1024xf32, #tpu.memory_space<hbm>>
        %dma_start3A_150 = tpu.memref_squeeze %dma_start3A_149 : memref<1x1024xf32, #tpu.memory_space<hbm>> -> memref<1024xf32, #tpu.memory_space<hbm>>
        %dma_start3A_151 = tpu.memref_slice %arg10[%mul3A_144] : memref<16512xf32, #tpu.memory_space<vmem_shared>> -> memref<1024xf32, #tpu.memory_space<vmem_shared>>
        tpu.enqueue_dma source(%dma_start3A_151 : memref<1024xf32, #tpu.memory_space<vmem_shared>>) target(%dma_start3A_150 : memref<1024xf32, #tpu.memory_space<hbm>>) target_semaphore(%run_scoped3A : memref<!tpu.dma_semaphore, #tpu.memory_space<semaphore_mem>>)
        %dma_wait3A_152 = tpu.memref_slice %arg8[%arg0, %add3A_146] : memref<2x262144xf32, #tpu.memory_space<hbm>> -> memref<1x1024xf32, #tpu.memory_space<hbm>>
        %dma_wait3A_153 = tpu.memref_squeeze %dma_wait3A_152 : memref<1x1024xf32, #tpu.memory_space<hbm>> -> memref<1024xf32, #tpu.memory_space<hbm>>
        %dma_wait3A_154 = tpu.memref_slice %arg10[%mul3A_144] : memref<16512xf32, #tpu.memory_space<vmem_shared>> -> memref<1024xf32, #tpu.memory_space<vmem_shared>>
        tpu.wait_dma2 semaphore(%run_scoped3A : memref<!tpu.dma_semaphore, #tpu.memory_space<semaphore_mem>>) src(%dma_wait3A_154 : memref<1024xf32, #tpu.memory_space<vmem_shared>>) dst(%dma_wait3A_153 : memref<1024xf32, #tpu.memory_space<hbm>>)
        tpu.yield
      }) : () -> ()
      %barrier3A_147 = arith.constant 0 : index
      tpu.barrier barrier_id(%barrier3A_147)
      %scan3A_148 = arith.constant 0 : i32
      scf.yield %scan3A_148 : i32
    }
    %scan3A_38 = arith.constant 16 : i32
    return
  }
}

module attributes {stable_mosaic.version = 14 : i64} {
  func.func @_prep_body(%arg0: i32, %arg1: i32, %arg2: i32, %arg3: memref<16xf32, #tpu.memory_space<smem>>, %arg4: memref<1x1x64x2048xf32, #tpu.memory_space<vmem>>, %arg5: memref<1x1x2048xf32, #tpu.memory_space<vmem>>, %arg6: memref<1x1x2048xf32, #tpu.memory_space<vmem>>, %arg7: memref<1x1x2048xf32, #tpu.memory_space<vmem>>, %arg8: memref<1x1x2048x64xf32, #tpu.memory_space<vmem>>, %arg9: memref<1x1x2048xi32, #tpu.memory_space<vmem>>) attributes {dimension_semantics = [#tpu.dimension_semantics<parallel>, #tpu.dimension_semantics<parallel>, #tpu.dimension_semantics<parallel>], iteration_bounds = array<i64: 2, 8, 8>, scalar_prefetch = 0 : i64, scratch_operands = 0 : i64, tpu.core_type = #tpu.core_type<tc>, window_params = [{transform_indices = @transform_0, window_bounds = array<i64: 16>}, {transform_indices = @transform_1, window_bounds = array<i64: 1, 1, 64, 2048>}, {transform_indices = @transform_2, window_bounds = array<i64: 1, 1, 2048>}, {transform_indices = @transform_3, window_bounds = array<i64: 1, 1, 2048>}, {transform_indices = @transform_4, window_bounds = array<i64: 1, 1, 2048>}, {transform_indices = @transform_5, window_bounds = array<i64: 1, 1, 2048, 64>}, {transform_indices = @transform_6, window_bounds = array<i64: 1, 1, 2048>}]} {
    %mul3A = arith.constant 8 : i32
    %mul3A_0 = arith.muli %arg0, %mul3A : i32
    %add3A = arith.addi %mul3A_0, %arg1 : i32
    %get3A = arith.index_cast %add3A : i32 to index
    %get3A_1 = memref.load %arg3[%get3A] : memref<16xf32, #tpu.memory_space<smem>>
    %get3A_2 = arith.constant 0 : index
    %get3A_3 = arith.constant 0 : index
    %get3A_4 = arith.constant 0 : index
    %get3A_5 = vector.load %arg5[%get3A_2, %get3A_3, %get3A_4] : memref<1x1x2048xf32, #tpu.memory_space<vmem>>, vector<1x1x2048xf32>
    %get3A_6 = vector.shape_cast %get3A_5 : vector<1x1x2048xf32> to vector<2048xf32>
    %get3A_7 = arith.constant 0 : index
    %get3A_8 = arith.constant 0 : index
    %get3A_9 = arith.constant 0 : index
    %get3A_10 = vector.load %arg6[%get3A_7, %get3A_8, %get3A_9] : memref<1x1x2048xf32, #tpu.memory_space<vmem>>, vector<1x1x2048xf32>
    %get3A_11 = vector.shape_cast %get3A_10 : vector<1x1x2048xf32> to vector<2048xf32>
    %abs3A = math.absf %get3A_6 : vector<2048xf32>
    %lt3A = arith.constant 0x7F800000 : f32
    %lt3A_12 = vector.broadcast %lt3A : f32 to vector<2048xf32>
    %lt3A_13 = arith.cmpf olt, %abs3A, %lt3A_12 : vector<2048xf32>
    %abs3A_14 = math.absf %get3A_11 : vector<2048xf32>
    %lt3A_15 = arith.constant 0x7F800000 : f32
    %lt3A_16 = vector.broadcast %lt3A_15 : f32 to vector<2048xf32>
    %lt3A_17 = arith.cmpf olt, %abs3A_14, %lt3A_16 : vector<2048xf32>
    %and3A = arith.andi %lt3A_13, %lt3A_17 : vector<2048xi1>
    %get3A_18 = arith.constant 0 : index
    %get3A_19 = arith.constant 0 : index
    %get3A_20 = arith.constant 0 : index
    %get3A_21 = vector.load %arg7[%get3A_18, %get3A_19, %get3A_20] : memref<1x1x2048xf32, #tpu.memory_space<vmem>>, vector<1x1x2048xf32>
    %get3A_22 = vector.shape_cast %get3A_21 : vector<1x1x2048xf32> to vector<2048xf32>
    %gt3A = arith.constant 5.000000e-01 : f32
    %gt3A_23 = vector.broadcast %gt3A : f32 to vector<2048xf32>
    %gt3A_24 = arith.cmpf ogt, %get3A_22, %gt3A_23 : vector<2048xf32>
    %and3A_25 = arith.andi %gt3A_24, %and3A : vector<2048xi1>
    %gt3A_26 = arith.constant 0.000000e+00 : f32
    %gt3A_27 = arith.cmpf ogt, %get3A_1, %gt3A_26 : f32
    %and3A_28 = vector.broadcast %gt3A_27 : i1 to vector<2048xi1>
    %and3A_29 = arith.andi %and3A_25, %and3A_28 : vector<2048xi1>
    %ne3A = arith.cmpf one, %get3A_6, %get3A_6 : vector<2048xf32>
    %jit3A = arith.constant 0.000000e+00 : f32
    %broadcast_in_dim3A = vector.broadcast %jit3A : f32 to vector<2048xf32>
    %select_n3A = arith.select %ne3A, %broadcast_in_dim3A, %get3A_6 : vector<2048xi1>, vector<2048xf32>
    %jit3A_30 = arith.constant 0.000000e+00 : f32
    %jit3A_31 = arith.constant 1.000000e+00 : f32
    %max3A = vector.broadcast %jit3A_30 : f32 to vector<2048xf32>
    %max3A_32 = arith.maximumf %max3A, %select_n3A : vector<2048xf32>
    %min3A = vector.broadcast %jit3A_31 : f32 to vector<2048xf32>
    %min3A_33 = arith.minimumf %min3A, %max3A_32 : vector<2048xf32>
    %ne3A_34 = arith.cmpf one, %get3A_11, %get3A_11 : vector<2048xf32>
    %jit3A_35 = arith.constant 0.000000e+00 : f32
    %broadcast_in_dim3A_36 = vector.broadcast %jit3A_35 : f32 to vector<2048xf32>
    %select_n3A_37 = arith.select %ne3A_34, %broadcast_in_dim3A_36, %get3A_11 : vector<2048xi1>, vector<2048xf32>
    %jit3A_38 = arith.constant 0.000000e+00 : f32
    %jit3A_39 = arith.constant 1.000000e+00 : f32
    %max3A_40 = vector.broadcast %jit3A_38 : f32 to vector<2048xf32>
    %max3A_41 = arith.maximumf %max3A_40, %select_n3A_37 : vector<2048xf32>
    %min3A_42 = vector.broadcast %jit3A_39 : f32 to vector<2048xf32>
    %min3A_43 = arith.minimumf %min3A_42, %max3A_41 : vector<2048xf32>
    %mul3A_44 = arith.constant 5.110000e+02 : f32
    %mul3A_45 = vector.broadcast %mul3A_44 : f32 to vector<2048xf32>
    %mul3A_46 = arith.mulf %min3A_33, %mul3A_45 : vector<2048xf32>
    %round3A = math.roundeven %mul3A_46 : vector<2048xf32>
    %convert_element_type3A = arith.fptosi %round3A : vector<2048xf32> to vector<2048xi32>
    %sub3A = arith.constant 1.000000e+00 : f32
    %sub3A_47 = vector.broadcast %sub3A : f32 to vector<2048xf32>
    %sub3A_48 = arith.subf %sub3A_47, %min3A_43 : vector<2048xf32>
    %mul3A_49 = arith.constant 5.110000e+02 : f32
    %mul3A_50 = vector.broadcast %mul3A_49 : f32 to vector<2048xf32>
    %mul3A_51 = arith.mulf %sub3A_48, %mul3A_50 : vector<2048xf32>
    %round3A_52 = math.roundeven %mul3A_51 : vector<2048xf32>
    %convert_element_type3A_53 = arith.fptosi %round3A_52 : vector<2048xf32> to vector<2048xi32>
    %mul3A_54 = arith.constant 512 : i32
    %mul3A_55 = vector.broadcast %mul3A_54 : i32 to vector<2048xi32>
    %mul3A_56 = arith.muli %convert_element_type3A_53, %mul3A_55 : vector<2048xi32>
    %add3A_57 = arith.addi %mul3A_56, %convert_element_type3A : vector<2048xi32>
    %jit3A_58 = arith.constant 1073741824 : i32
    %broadcast_in_dim3A_59 = vector.broadcast %jit3A_58 : i32 to vector<2048xi32>
    %select_n3A_60 = arith.select %and3A_29, %add3A_57, %broadcast_in_dim3A_59 : vector<2048xi1>, vector<2048xi32>
    %swap3A = arith.constant 0 : index
    %swap3A_61 = arith.constant 0 : index
    %swap3A_62 = arith.constant 0 : index
    %swap3A_63 = vector.load %arg9[%swap3A, %swap3A_61, %swap3A_62] : memref<1x1x2048xi32, #tpu.memory_space<vmem>>, vector<1x1x2048xi32>
    %swap3A_64 = vector.shape_cast %swap3A_63 : vector<1x1x2048xi32> to vector<2048xi32>
    %swap3A_65 = vector.shape_cast %select_n3A_60 : vector<2048xi32> to vector<1x1x2048xi32>
    tpu.vector_store %arg9[%swap3A, %swap3A_61, %swap3A_62], %swap3A_65 {strides = array<i32>} : memref<1x1x2048xi32, #tpu.memory_space<vmem>>, vector<1x1x2048xi32>,
    %get3A_66 = arith.constant 0 : index
    %get3A_67 = arith.constant 0 : index
    %get3A_68 = arith.constant 0 : index
    %get3A_69 = arith.constant 0 : index
    %get3A_70 = vector.load %arg4[%get3A_66, %get3A_67, %get3A_68, %get3A_69] : memref<1x1x64x2048xf32, #tpu.memory_space<vmem>>, vector<1x1x64x2048xf32>
    %get3A_71 = vector.shape_cast %get3A_70 : vector<1x1x64x2048xf32> to vector<64x2048xf32>
    %mul3A_72 = vector.broadcast %get3A_1 : f32 to vector<64x2048xf32>
    %mul3A_73 = arith.mulf %get3A_71, %mul3A_72 : vector<64x2048xf32>
    %transpose3A = tpu.transpose %mul3A_73, [1, 0] : vector<64x2048xf32> -> vector<2048x64xf32>
    %swap3A_74 = arith.constant 0 : index
    %swap3A_75 = arith.constant 0 : index
    %swap3A_76 = arith.constant 0 : index
    %swap3A_77 = arith.constant 0 : index
    %swap3A_78 = vector.load %arg8[%swap3A_74, %swap3A_75, %swap3A_76, %swap3A_77] : memref<1x1x2048x64xf32, #tpu.memory_space<vmem>>, vector<1x1x2048x64xf32>
    %swap3A_79 = vector.shape_cast %swap3A_78 : vector<1x1x2048x64xf32> to vector<2048x64xf32>
    %swap3A_80 = vector.shape_cast %transpose3A : vector<2048x64xf32> to vector<1x1x2048x64xf32>
    tpu.vector_store %arg8[%swap3A_74, %swap3A_75, %swap3A_76, %swap3A_77], %swap3A_80 {strides = array<i32>} : memref<1x1x2048x64xf32, #tpu.memory_space<vmem>>, vector<1x1x2048x64xf32>,
    return
  }
  func.func @transform_0(%arg0: i32, %arg1: i32, %arg2: i32) -> i32 {
    %c0_i32 = arith.constant 0 : i32
    %c0_i32_0 = arith.constant 0 : i32
    return %c0_i32 : i32
  }
  func.func @transform_1(%arg0: i32, %arg1: i32, %arg2: i32) -> (i32, i32, i32, i32) {
    %c0_i32 = arith.constant 0 : i32
    %c0_i32_0 = arith.constant 0 : i32
    return %arg0, %arg1, %c0_i32, %arg2 : i32, i32, i32, i32
  }
  func.func @transform_2(%arg0: i32, %arg1: i32, %arg2: i32) -> (i32, i32, i32) {
    %mul3A = arith.constant 8 : i32
    %mul3A_0 = arith.muli %arg0, %mul3A : i32
    %add3A = arith.addi %mul3A_0, %arg1 : i32
    %c0_i32 = arith.constant 0 : i32
    %c0_i32_1 = arith.constant 0 : i32
    return %add3A, %c0_i32, %arg2 : i32, i32, i32
  }
  func.func @transform_3(%arg0: i32, %arg1: i32, %arg2: i32) -> (i32, i32, i32) {
    %mul3A = arith.constant 8 : i32
    %mul3A_0 = arith.muli %arg0, %mul3A : i32
    %add3A = arith.addi %mul3A_0, %arg1 : i32
    %c0_i32 = arith.constant 0 : i32
    %c0_i32_1 = arith.constant 0 : i32
    return %add3A, %c0_i32, %arg2 : i32, i32, i32
  }
  func.func @transform_4(%arg0: i32, %arg1: i32, %arg2: i32) -> (i32, i32, i32) {
    %mul3A = arith.constant 8 : i32
    %mul3A_0 = arith.muli %arg0, %mul3A : i32
    %add3A = arith.addi %mul3A_0, %arg1 : i32
    %c0_i32 = arith.constant 0 : i32
    %c0_i32_1 = arith.constant 0 : i32
    return %add3A, %c0_i32, %arg2 : i32, i32, i32
  }
  func.func @transform_5(%arg0: i32, %arg1: i32, %arg2: i32) -> (i32, i32, i32, i32) {
    %c0_i32 = arith.constant 0 : i32
    %c0_i32_0 = arith.constant 0 : i32
    return %arg0, %arg1, %arg2, %c0_i32 : i32, i32, i32, i32
  }
  func.func @transform_6(%arg0: i32, %arg1: i32, %arg2: i32) -> (i32, i32, i32) {
    %mul3A = arith.constant 8 : i32
    %mul3A_0 = arith.muli %arg0, %mul3A : i32
    %add3A = arith.addi %mul3A_0, %arg1 : i32
    %c0_i32 = arith.constant 0 : i32
    %c0_i32_1 = arith.constant 0 : i32
    return %add3A, %c0_i32, %arg2 : i32, i32, i32
  }
}

module attributes {stable_mosaic.version = 14 : i64} {
  func.func @_fin_body(%arg0: i32, %arg1: i32, %arg2: memref<1x2048x64xf32, #tpu.memory_space<vmem>>, %arg3: memref<1x1x2048xf32, #tpu.memory_space<vmem>>, %arg4: memref<1x64x2048xf32, #tpu.memory_space<vmem>>, %arg5: memref<1x1x2048xf32, #tpu.memory_space<vmem>>) attributes {dimension_semantics = [#tpu.dimension_semantics<parallel>, #tpu.dimension_semantics<parallel>], iteration_bounds = array<i64: 2, 128>, scalar_prefetch = 0 : i64, scratch_operands = 0 : i64, tpu.core_type = #tpu.core_type<tc>, window_params = [{transform_indices = @transform_0, window_bounds = array<i64: 1, 2048, 64>}, {transform_indices = @transform_1, window_bounds = array<i64: 1, 1, 2048>}, {transform_indices = @transform_2, window_bounds = array<i64: 1, 64, 2048>}, {transform_indices = @transform_3, window_bounds = array<i64: 1, 1, 2048>}]} {
    %get3A = arith.constant 0 : index
    %get3A_0 = arith.constant 0 : index
    %get3A_1 = arith.constant 0 : index
    %get3A_2 = vector.load %arg3[%get3A, %get3A_0, %get3A_1] : memref<1x1x2048xf32, #tpu.memory_space<vmem>>, vector<1x1x2048xf32>
    %get3A_3 = vector.shape_cast %get3A_2 : vector<1x1x2048xf32> to vector<2048xf32>
    %get3A_4 = arith.constant 0 : index
    %get3A_5 = arith.constant 0 : index
    %get3A_6 = arith.constant 0 : index
    %get3A_7 = vector.load %arg2[%get3A_4, %get3A_5, %get3A_6] : memref<1x2048x64xf32, #tpu.memory_space<vmem>>, vector<1x2048x64xf32>
    %get3A_8 = vector.shape_cast %get3A_7 : vector<1x2048x64xf32> to vector<2048x64xf32>
    %transpose3A = tpu.transpose %get3A_8, [1, 0] : vector<2048x64xf32> -> vector<64x2048xf32>
    %max3A = arith.constant 1.000000e+00 : f32
    %max3A_9 = vector.broadcast %max3A : f32 to vector<2048xf32>
    %max3A_10 = arith.maximumf %get3A_3, %max3A_9 : vector<2048xf32>
    %broadcast_in_dim3A = vector.shape_cast %max3A_10 : vector<2048xf32> to vector<1x2048xf32>
    %div3A = vector.broadcast %broadcast_in_dim3A : vector<1x2048xf32> to vector<64x2048xf32>
    %div3A_11 = arith.divf %transpose3A, %div3A : vector<64x2048xf32>
    %swap3A = arith.constant 0 : index
    %swap3A_12 = arith.constant 0 : index
    %swap3A_13 = arith.constant 0 : index
    %swap3A_14 = vector.load %arg4[%swap3A, %swap3A_12, %swap3A_13] : memref<1x64x2048xf32, #tpu.memory_space<vmem>>, vector<1x64x2048xf32>
    %swap3A_15 = vector.shape_cast %swap3A_14 : vector<1x64x2048xf32> to vector<64x2048xf32>
    %swap3A_16 = vector.shape_cast %div3A_11 : vector<64x2048xf32> to vector<1x64x2048xf32>
    tpu.vector_store %arg4[%swap3A, %swap3A_12, %swap3A_13], %swap3A_16 {strides = array<i32>} : memref<1x64x2048xf32, #tpu.memory_space<vmem>>, vector<1x64x2048xf32>,
    %gt3A = arith.constant 0.000000e+00 : f32
    %gt3A_17 = vector.broadcast %gt3A : f32 to vector<2048xf32>
    %gt3A_18 = arith.cmpf ogt, %get3A_3, %gt3A_17 : vector<2048xf32>
    %convert_element_type3A = arith.extui %gt3A_18 : vector<2048xi1> to vector<2048xi32>
    %convert_element_type3A_19 = arith.sitofp %convert_element_type3A : vector<2048xi32> to vector<2048xf32>
    %swap3A_20 = arith.constant 0 : index
    %swap3A_21 = arith.constant 0 : index
    %swap3A_22 = arith.constant 0 : index
    %swap3A_23 = vector.load %arg5[%swap3A_20, %swap3A_21, %swap3A_22] : memref<1x1x2048xf32, #tpu.memory_space<vmem>>, vector<1x1x2048xf32>
    %swap3A_24 = vector.shape_cast %swap3A_23 : vector<1x1x2048xf32> to vector<2048xf32>
    %swap3A_25 = vector.shape_cast %convert_element_type3A_19 : vector<2048xf32> to vector<1x1x2048xf32>
    tpu.vector_store %arg5[%swap3A_20, %swap3A_21, %swap3A_22], %swap3A_25 {strides = array<i32>} : memref<1x1x2048xf32, #tpu.memory_space<vmem>>, vector<1x1x2048xf32>,
    return
  }
  func.func @transform_0(%arg0: i32, %arg1: i32) -> (i32, i32, i32) {
    %c0_i32 = arith.constant 0 : i32
    %c0_i32_0 = arith.constant 0 : i32
    return %arg0, %arg1, %c0_i32 : i32, i32, i32
  }
  func.func @transform_1(%arg0: i32, %arg1: i32) -> (i32, i32, i32) {
    %c0_i32 = arith.constant 0 : i32
    %c0_i32_0 = arith.constant 0 : i32
    return %arg0, %c0_i32, %arg1 : i32, i32, i32
  }
  func.func @transform_2(%arg0: i32, %arg1: i32) -> (i32, i32, i32) {
    %c0_i32 = arith.constant 0 : i32
    %c0_i32_0 = arith.constant 0 : i32
    return %arg0, %c0_i32, %arg1 : i32, i32, i32
  }
  func.func @transform_3(%arg0: i32, %arg1: i32) -> (i32, i32, i32) {
    %c0_i32 = arith.constant 0 : i32
    %c0_i32_0 = arith.constant 0 : i32
    return %arg0, %c0_i32, %arg1 : i32, i32, i32
  }
}

</mosaic_0001>

<sc_bundles>
// kernel: kernel.5.cloned.1.call-start
scs
__scs_entry_jumppad:
0x0: {  	(pc) =	sbr.rel $0x88, $3  }
0x1: {  	(tag) =	ssettag $0x0;
	lr =	simm.s32 $0x1  }
0x2: {  	[smem:$0x3F9D] =	sst lr;
	_ =	strace $0xD0000000  }
0x3: {  	_ = 	snop  }
0x4: {  	_ = 	snop  }
0x5: {  	_ = 	snop  }
0x6: {  	_ = 	snop  }
0x7: {  	_ = 	snop  }
__scs_overlays_trampoline_lowered:
0x8: {  	[smem:$0x3FAC] =	sst s0  }
0x9: {  	[smem:$0x3FAD] =	sst s1  }
0xa: {  	[smem:$0x3FAE] =	sst s2  }
0xb: {  	[smem:$0x3FAF] =	sst s3  }
0xc: {  	[smem:$0x3FB0] =	sst s4  }
0xd: {  	[smem:$0x3FB1] =	sst s5  }
0xe: {  	[smem:$0x3FB2] =	sst s6  }
0xf: {  	[smem:$0x3FB3] =	sst s7  }
0x10: {  	[smem:$0x3FB4] =	sst s8  }
0x11: {  	[smem:$0x3FB5] =	sst s9;
	s0 =	simm.s32 @!p0 $0x0  }
0x12: {  	s1 =	sld [smem:$0x3F9B];
	s0 =	simm.s32 @p0 $0x1  }
0x13: {  	[smem:$0x3FB6] =	sst s0;
	s0 =	simm.s32 @!p1 $0x0  }
0x14: {  	s2 =	sld [smem:$0x3F9A];
	s0 =	simm.s32 @p1 $0x1  }
0x15: {  	[smem:$0x3FB7] =	sst s0;
	s0 =	simm.s32 @!p2 $0x0  }
0x16: {  	s3 =	sld [smem:$0x3FDB];
	s0 =	simm.s32 @p2 $0x1  }
0x17: {  	s4 =	simm.s32 $0x1BF5;
	[smem:$0x3FB9] =	sst s0  }
0x18: {  	s0 =	sld [smem:$0x3F9C];
	_ =	swait.ge [sflag:s4], $0x0  }
0x19: {  	s7 =	sld [smem:$0x3F9D]  }
0x1a: {  	s8 =	sadd.s32 $0xFFFFE003, lr  }
0x1b: {  	s9 =	sadd.s32 $0xFFFFFEF7, lr;
	s5 =	simm.s32 $0xFFFFFFFF;
	p2 =	slt.u32 s8, $0xFFFFF086  }
0x1c: {  	p1 =	slt.u32 s9, $0xF7A;
	s5 =	simm.s32 @!p2 $0x0  }
0x1d: {  	s5 =	simm.s32 @p1 $0x1;
	p0 =	seq.s32 s7, s2  }
0x1e: {  	s7 =	smul.u32 @!p0 $0xF7A, s2;
	p2 =	seq.s32 @!p0 s5, $0x0  }
0x1f: {  	s9 =	smul.u32 $0xF7A, s1;
	s8 =	simm.s32 @!p0 $0x1BF5;
	p2 =	por !p2, p0  }
0x20: {  	[sflag:s8] =	ssyncset.s32 @!p0 $0xFFFFF086;
	s6 =	sadd.s32 @!p0 s3, s7;
	s7 =	simm.s32 @!p0 $0x108  }
0x21: {  	s3 =	sadd.s32 s3, s9;
	s6 =	sadd.s32 @!p0 $0x88, s6;
	s7 =	simm.s32 @p2 $0x1082  }
0x22: {  	[simem:s7], [sflag:s8] =	dma.local @!p0 [hbm:s6], $0xF7A  }
0x23: {  	s9 =	sor.u32 $0xD0000000, s2;
	s6 =	simm.s32 $0x108;
	_ =	swait.ge @!p0 [sflag:s8], $0x0  }
0x24: {  	s3 =	sadd.s32 $0x88, s3;
	s6 =	simm.s32 @!p1 $0x1082;
	[sflag:s4] =	ssyncset.s32 $0xFFFFF086  }
0x25: {  	[simem:s6], [sflag:s4] =	dma.local [hbm:s3], $0xF7A  }
0x26: {  	[smem:$0x3F9D] =	sst s1;
	(tag) =	ssettag s2;
	_ =	strace s9  }
0x27: {  	s1 =	sld [smem:$0x3FAD]  }
0x28: {  	s2 =	sld [smem:$0x3FAE]  }
0x29: {  	s4 =	sld [smem:$0x3FB0]  }
0x2a: {  	p0 =	seq.s32 s5, $0x0;
	s5 =	sld [smem:$0x3FB1]  }
0x2b: {  	s6 =	sld [smem:$0x3FB2]  }
0x2c: {  	s7 =	sld [smem:$0x3FB3]  }
0x2d: {  	s3 =	simm.s32 $0x108;
	s8 =	sld [smem:$0x3FB4]  }
0x2e: {  	s3 =	simm.s32 @!p0 $0x1082;
	s9 =	sld [smem:$0x3FB5]  }
0x2f: {  	lr =	sadd.s32 s0, s3;
	s0 =	sld [smem:$0x3FAC]  }
0x30: {  	s3 =	sld [smem:$0x3FAF]  }
0x31: {  	[smem:$0x3FB8] =	sst s10  }
0x32: {  	s10 =	sld [smem:$0x3FB6];
	_ =	sdelay $0x3  }
0x33: {  	p0 =	seq.s32 s10, $0x1;
	s10 =	sld [smem:$0x3FB8];
	_ =	sdelay $0x3  }
0x34: {  	[smem:$0x3FB8] =	sst s10  }
0x35: {  	s10 =	sld [smem:$0x3FB7];
	_ =	sdelay $0x3  }
0x36: {  	p1 =	seq.s32 s10, $0x1;
	s10 =	sld [smem:$0x3FB8];
	_ =	sdelay $0x3  }
0x37: {  	[smem:$0x3FB8] =	sst s10  }
0x38: {  	s10 =	sld [smem:$0x3FB9]  }
0x39: {  	_ = 	snop;
	(pc) =	sbr.ind lr, $3  }
0x3a: {  	_ = 	snop  }
0x3b: {  	_ = 	snop  }
0x3c: {  	p2 =	seq.s32 s10, $0x1;
	s10 =	sld [smem:$0x3FB8]  }
0x3d: {  	_ =	shalt  }
0x3e: {  	_ =	shalt  }
0x3f: {  	_ =	shalt  }
0x40: {  	_ =	shalt  }
0x41: {  	_ =	shalt  }
0x42: {  	_ =	shalt  }
0x43: {  	_ =	shalt  }
0x44: {  	_ =	shalt  }
0x45: {  	_ =	shalt  }
0x46: {  	_ =	shalt  }
0x47: {  	_ =	shalt  }
0x48: {  	_ =	shalt  }
0x49: {  	_ =	shalt  }
0x4a: {  	_ =	shalt  }
0x4b: {  	_ =	shalt  }
0x4c: {  	_ =	shalt  }
0x4d: {  	_ =	shalt  }
0x4e: {  	_ =	shalt  }
0x4f: {  	_ =	shalt  }
0x50: {  	_ =	shalt  }
0x51: {  	_ =	shalt  }
0x52: {  	_ =	shalt  }
0x53: {  	_ =	shalt  }
0x54: {  	_ =	shalt  }
0x55: {  	_ =	shalt  }
0x56: {  	_ =	shalt  }
0x57: {  	_ =	shalt  }
0x58: {  	_ =	shalt  }
0x59: {  	_ =	shalt  }
0x5a: {  	_ =	shalt  }
0x5b: {  	_ =	shalt  }
0x5c: {  	_ =	shalt  }
0x5d: {  	_ =	shalt  }
0x5e: {  	_ =	shalt  }
0x5f: {  	_ =	shalt  }
0x60: {  	_ =	shalt  }
0x61: {  	_ =	shalt  }
0x62: {  	_ =	shalt  }
0x63: {  	_ =	shalt  }
0x64: {  	_ =	shalt  }
0x65: {  	_ =	shalt  }
0x66: {  	_ =	shalt  }
0x67: {  	_ =	shalt  }
0x68: {  	_ =	shalt  }
0x69: {  	_ =	shalt  }
0x6a: {  	_ =	shalt  }
0x6b: {  	_ =	shalt  }
0x6c: {  	_ =	shalt  }
0x6d: {  	_ =	shalt  }
0x6e: {  	_ =	shalt  }
0x6f: {  	_ =	shalt  }
0x70: {  	_ =	shalt  }
0x71: {  	_ =	shalt  }
0x72: {  	_ =	shalt  }
0x73: {  	_ =	shalt  }
0x74: {  	_ =	shalt  }
0x75: {  	_ =	shalt  }
0x76: {  	_ =	shalt  }
0x77: {  	_ =	shalt  }
0x78: {  	_ =	shalt  }
0x79: {  	_ =	shalt  }
0x7a: {  	_ =	shalt  }
0x7b: {  	_ =	shalt  }
0x7c: {  	_ =	shalt  }
0x7d: {  	_ =	shalt  }
0x7e: {  	_ =	shalt  }
0x7f: {  	_ =	shalt  }
0x80: {  	_ =	shalt  }
0x81: {  	_ =	shalt  }
0x82: {  	_ =	shalt  }
0x83: {  	_ =	shalt  }
0x84: {  	_ =	shalt  }
0x85: {  	_ =	shalt  }
0x86: {  	_ =	shalt  }
0x87: {  	_ =	shalt  }
.Lfunc_end0:
.L_simem_size_0:
called_computation.1_lowered:
.L_overlay_start_0:
0x88: {  	s2 =	sld [smem:$0x3FD9]  }
0x89: {  	s3 =	sld [smem:$0x3FFE];
	_ =	sdelay $0x1  }
0x8a: {  	s1 =	srdreg.scid  }
0x8b: {  	s0 =	sand.u32 $0x1, s1  }
0x8c: {  	s14 =	sshll.u32 s0, $0xA;
	s2 =	sadd.s32 s3, s2  }
0x8d: {  	s2 =	sadd.s32 s2, s14  }
0x8e: {  	[smem:$0x3FC4] =	sst s2  }
0x8f: {  	_ = 	snop  }
0x90: {  	s2 =	sld [smem:$0x3FD0];
	_ =	sdelay $0x2  }
0x91: {  	s15 =	simm.s32 $0xA;
	s4 =	simm.s32 $0x10  }
0x92: {  	[smem:s4], [sflag:s15] =	dma.local [hbm:s2], $0x1  }
0x93: {  	_ =	swait.eq [sflag:s15], $0x1  }
0x94: {  	[sflag:s15] =	ssyncset.done $0x0  }
0x95: {  	s16 =	sld [smem:$0x10];
	[sflag:s15] =	ssyncadd.s32 $0xFFFFFFFF  }
0x96: {  	s17 =	sld [smem:$0x11];
	(tm) =	ssettm $0x1  }
0x97: {  	s18 =	sld [smem:$0x3FFB];
	_ =	sdelay $0x3  }
0x98: {  	_ =	strace s18  }
0x99: {  	s4 =	sld [smem:$0x3FFC];
	_ =	sdelay $0x3  }
0x9a: {  	_ =	strace s4  }
0x9b: {  	s4 =	sld [smem:$0x3FFD];
	_ =	sdelay $0x3  }
0x9c: {  	_ =	strace s4  }
0x9d: {  	_ =	strace $0x8FFFFFFF  }
0x9e: {  	s19 =	sld [smem:$0x3FDB];
	_ =	sdelay $0x1  }
0x9f: {  	s5 =	simm.s32 $_scs_section_size  }
0xa0: {  	s6 =	simm.s32 $_size__tile_overlayer_lowered;
	s7 =	simm.s32 $_tile_overlayer_lowered  }
0xa1: {  	s22 =	simm.s32 $0x1BFF;
	s21 =	sshll.u32 s7, $0x1;
	s4 =	sadd.s32 s5, s19  }
0xa2: {  	s8 =	simm.s32 $0x0;
	s20 =	sshll.u32 s6, $0x1;
	s6 =	sadd.s32 s21, s4  }
0xa3: {  	[timem:s8], [sflag:s22] =	dma.local [hbm:s6], s20  }
0xa4: {  	_ =	swait.ge [sflag:s22], s20  }
0xa5: {  	s5 =	ssub.s32 $0x0, s20;
	[sflag:s22] =	ssyncset.done $0x0  }
0xa6: {  	[sflag:s22] =	ssyncadd.s32 s5;
	_ =	sdelay $0x1  }
0xa7: {  	s23 =	simm.s32 $0x1B8B  }
0xa8: {  	_ =	swait.ge [sflag:s23], $0x1  }
0xa9: {  	[sflag:s23] =	ssyncset.done $0x0  }
0xaa: {  	s25 =	simm.s32 $0x1B8E;
	s24 =	sld [smem:$0x3FFE];
	[sflag:s23] =	ssyncadd.s32 $0xFFFFFFFF  }
0xab: {  	s26 =	simm.s32 $execute0_lowered;
	[smem:$0x3FD2] =	sst s25  }
0xac: {  	s6 =	sshll.u32 s26, $0x1;
	_ =	strace $0x80000046;
	[dreg:$0x1] =	wrdreg $0xFFFFFFFF  }
0xad: {  	s28 =	simm.s32 $_size_execute0_lowered;
	s4 =	sadd.s32 s4, s6;
	[dreg:$0x0] =	wrdreg $0x0  }
0xae: {  	s6 =	sshll.u32 s28, $0x1;
	[dreg:$0x2] =	wrdreg s4  }
0xaf: {  	[dreg:$0x3] =	wrdreg s6  }
0xb0: {  	[dreg:$0x4] =	wrdreg $0xC0  }
0xb1: {  	_ =	task [dreg:s8], $0x5FFFF  }
0xb2: {  	[dreg:$0x1] =	wrdreg $0xFFFFFFFF  }
0xb3: {  	[dreg:$0x0] =	wrdreg $0x60  }
0xb4: {  	[dreg:$0x2] =	wrdreg s24  }
0xb5: {  	[dreg:$0x3] =	wrdreg s16  }
0xb6: {  	[dreg:$0x4] =	wrdreg s17  }
0xb7: {  	[dreg:$0x5] =	wrdreg $0x0  }
0xb8: {  	[dreg:$0x6] =	wrdreg $0x102000  }
0xb9: {  	[dreg:$0x7] =	wrdreg $0x9  }
0xba: {  	_ =	task.clear_ibuf [dreg:s8], $0x8FFFF;
	_ =	strace $0x90000046  }
0xbb: {  	s29 =	simm.s32 $0x9;
	_ =	strace $0x80000048  }
0xbc: {  	_ =	swait.ge [sflag:s29], $0x1  }
0xbd: {  	[sflag:s29] =	ssyncadd.s32 $0xFFFFFFFF  }
0xbe: {  	_ =	strace $0x90000048  }
0xbf: {  	_ =	sfence  }
0xc0: {  	s30 =	sld [smem:$0x0];
	_ =	sdelay $0x2  }
0xc1: {  	s31 =	sshll.u32 s1, $0xD;
	s1 =	sshrl.u32 s1, $0x2  }
0xc2: {  	s3 =	sand.u32 $0x4000, s31;
	s1 =	sadd.s32 s1, s30  }
0xc3: {  	s0 =	sor.u32 s3, s0;
	s1 =	sshll.u32 s1, $0x11  }
0xc4: {  	s0 =	sor.u32 s1, s0  }
0xc5: {  	s0 =	sadd.s32 $0x8F2B, s0  }
0xc6: {  	[sflag:s0] =	ssyncadd.remote.s32 $0x1  }
0xc7: {  	_ =	sfence.sel $0xFFFF  }
0xc8: {  	[dreg:$0x0] =	wrdreg $0xFFFFFFFF;
	(pc) =	sbr.abs _section_cstart, $3  }
0xc9: {  	[dreg:$0x1] =	wrdreg $0xFFFFFFFF  }
0xca: {  	_ =	task.clear_ibuf [dreg:s8], $0x2FFFF;
	_ =	strace $0x9FFFFFFF  }
0xcb: {  	(tm) =	ssettm $0x7FFFFFFF  }
tec
execute0_lowered:
.L_overlay_start_1:
0x0: {  	(tag) =	ssettag $0x1  }
0x1: {  	s0 =	rddreg [dreg:$0x0]  }
0x2: {  	s1 =	rddreg [dreg:$0x1]  }
0x3: {  	s3 =	rddreg [dreg:$0x3]  }
0x4: {  	s4 =	rddreg [dreg:$0x4];
	s2 =	srdreg.scid  }
0x5: {  	s14 =	stileid.u32;
	s7 =	simm.s32 $0x0;
	s18 =	simm.s32 $0x5  }
0x6: {  	s2 =	sand.u32 $0x1, s2;
	s6 =	sshll.u32 s14, $0xD;
	[smem:$0x7FF] =	sst s7  }
0x7: {  	s7 =	sadd.s32 $0x9A00, s0;
	s8 =	sadd.s32 $0x1800, s0;
	s10 =	smul.u32 $0x40800, s14  }
0x8: {  	s9 =	sadd.s32 $0x209C00, s0;
	s12 =	sshrl.u32 s14, $0x1;
	s13 =	smul.u32 $0x1020, s14  }
0x9: {  	s28 =	sshll.u32 s14, $0xA;
	s29 =	sshll.u32 s14, $0x10;
	s31 =	sshll.u32 s14, $0x6  }
0xa: {  	s5 =	sshll.u32 s2, $0x11;
	_ =	strace $0x80000047;
	[dreg:$0x6] =	wrdreg s8  }
0xb: {  	s20 =	ssub.s32 $0x2, s2;
	[dreg:$0x7] =	wrdreg s9;
	s11 =	sshll.u32 s2, $0x3  }
0xc: {  	s26 =	sshll.u32 s2, $0x15;
	s2 =	sshll.u32 s2, $0x12;
	[dreg:$0xd] =	wrdreg s28  }
0xd: {  	s30 =	sadd.s32 s28, s4;
	s17 =	smov.u32 s31;
	s6 =	sor.u32 s6, s5  }
0xe: {  	s21 =	sshrl.u32 s20, $0x1;
	s23 =	sor.u32 s12, s11;
	s24 =	sshrl.u32 s10, $0x2  }
0xf: {  	s25 =	sshrl.u32 s13, $0x2;
	s1 =	sadd.s32 s1, s26;
	[dreg:$0xb] =	wrdreg s2  }
0x10: {  	s5 =	sshrl.u32 s6, $0x3;
	s22 =	ssub.s32 s20, s21;
	s9 =	sadd.s32 s25, s4  }
0x11: {  	[dreg:$0xa] =	wrdreg s1;
	s1 =	sadd.s32 s29, s3;
	s20 =	sor.u32 $0x1C04, s31  }
.Ltmp0:
0x12: {  	s5 =	sadd.s32 s5, s0;
	s0 =	sadd.s32 $0x209A00, s0;
	(pc) =	sbr.rel .LBB2_1-.Ltmp0, $4  }
0x13: {  	v0 =	vmov s23;
	s23 =	simm.s32 $0x4;
	[dreg:$0x8] =	wrdreg s0;
	s5 =	sadd.s32 $0x1A00, s5  }
0x14: {  	s25 =	sshrl.u32 s30, $0x3;
	s0 =	smax.u32 s22, $0x1;
	[dreg:$0x9] =	wrdreg s5  }
0x15: {  	s22 =	sshrl.u32 s9, $0x3;
	s5 =	sadd.s32 s24, s3;
	[dreg:$0xc] =	wrdreg s0  }
0x16: {  	v1 =	vlaneseq.u32;
	v2 =	vimm.s32 $0x0;
	v3 =	vimm.s32 $0x4000;
	s24 =	sshrl.u32 s1, $0x3;
	s1 =	simm.s32 $0x0;
	s21 =	sshrl.u32 s5, $0x3  }
.LBB2_9:
0x17: {  	s1 =	rddreg [dreg:$0xe]  }
0x18: {  	s0 =	rddreg [dreg:$0xc];
	s1 =	sadd.s32 $0x1, s1  }
0x19: {  	p0 =	sne.s32 s1, s0  }
.Ltmp1:
0x1a: {  	_ = 	snop;
	(pc) =	sbr.rel @!p0 .LBB2_10-.Ltmp1, $1  }
0x1b: {  	_ =	sdelay $0x3  }
.LBB2_1:
0x1c: {  	[dreg:$0xe] =	wrdreg s1  }
0x1d: {  	s0 =	simm.s32 $0x0;
	s29 =	rddreg [dreg:$0x6];
	s2 =	simm.s32 $0x1E808  }
0x1e: {  	[tilespmem:s2], [sflag:$0x5] =	stream.linear.gather [hbm4b:s29+s0], $0x10, $0x38;
	[tilespmem:$0x1E818] =	vst v63  }
0x1f: {  	_ =	swait.ge [sflag:s18], $0x10  }
0x20: {  	[sflag:s18] =	ssyncset.done $0x0  }
0x21: {  	[sflag:s18] =	ssyncadd.s32 $0xFFFFFFF0  }
0x22: {  	v4 =	vld.idx.msk [tilespmem:v0+s2+$0x0], $0xffff;
	_ =	sdelay $0x4  }
0x23: {  	[tilespmem:$0x18788] =	vst v4  }
0x24: {  	[tilespmem:$0x18798] =	vst v4  }
0x25: {  	[tilespmem:$0x187A8] =	vst v4  }
0x26: {  	[tilespmem:$0x187B8] =	vst v4  }
0x27: {  	[tilespmem:$0x187C8] =	vst v4  }
0x28: {  	[tilespmem:$0x187D8] =	vst v4  }
0x29: {  	[tilespmem:$0x187E8] =	vst v4  }
.Ltmp2:
0x2a: {  	s31 =	simm.s32 $0x10608;
	s30 =	rddreg [dreg:$0x9];
	[tilespmem:$0x187F8] =	vst v4;
	(pc) =	sbr.rel .LBB2_2-.Ltmp2, $4  }
0x2b: {  	[tilespmem:s31], [sflag:$0x5] =	stream.linear.gather [hbm4b:s30+s0], $0x2000, $0x38;
	[tilespmem:$0x1E818] =	vst v63  }
0x2c: {  	_ =	swait.ge [sflag:s18], $0x2000  }
0x2d: {  	[sflag:s18] =	ssyncset.done $0x0  }
0x2e: {  	s28 =	simm.s32 $0x0;
	[sflag:s18] =	ssyncadd.s32 $0xFFFFE000  }
.LBB2_7:
0x2f: {  	v6 =	vld @!p2 [tilespmem:s16+$0x126D8]  }
0x30: {  	v7 =	vld @!p2 [tilespmem:s16+$0x126B8]  }
0x31: {  	v8 =	vld @!p2 [tilespmem:s16+$0x126A8]  }
0x32: {  	v9 =	vld @!p2 [tilespmem:s16+$0x12698];
	[tilespmem:s16+$0x167F8] =	vst @!p2 v5  }
0x33: {  	v5 =	vld @!p2 [tilespmem:s16+$0x12688];
	[tilespmem:s16+$0x167E8] =	vst @!p2 v4  }
0x34: {  	v4 =	vld @!p2 [tilespmem:s16+$0x126C8];
	[tilespmem:s16+$0x167D8] =	vst @!p2 v6  }
0x35: {  	[tilespmem:s16+$0x167B8] =	vst @!p2 v7  }
0x36: {  	[tilespmem:s16+$0x167A8] =	vst @!p2 v8  }
0x37: {  	[tilespmem:s16+$0x16798] =	vst @!p2 v9  }
0x38: {  	[tilespmem:s16+$0x16788] =	vst @!p2 v5  }
0x39: {  	s10 =	simm.s32 @!p2 $0x1A808;
	[tilespmem:s16+$0x167C8] =	vst @!p2 v4  }
0x3a: {  	[spmem:s3] =	stream.indirect.scatter.add.f32 @!p2 [tilespmem:s10], [sflag:$0x5], $0x40, s26, s1, $0xb8;
	[tilespmem:$0x1E818] =	vst v63  }
0x3b: {  	_ =	swait.ge @!p2 [sflag:s15], $0x2000  }
0x3c: {  	[sflag:s15] =	ssyncset.done @!p2 $0x0  }
0x3d: {  	[sflag:s15] =	ssyncadd.s32 @!p2 $0xFFFFE000  }
0x3e: {  	[spmem:s4] =	stream.indirect.scatter.add.f32 @!p2 [tilespmem:s9], [sflag:$0x5], $0x1, s26, s1, $0xb8;
	[tilespmem:$0x1E818] =	vst v63  }
0x3f: {  	_ =	swait.ge @!p2 [sflag:s15], $0x80  }
0x40: {  	p0 =	sge.s32 s8, s30;
	[sflag:s15] =	ssyncset.done @!p2 $0x0  }
0x41: {  	s1 =	simm.s32 @!p0 $0x3;
	[sflag:s15] =	ssyncadd.s32 @!p2 $0xFFFFFF80  }
0x42: {  	_ =	swait.ge @!p0 [sflag:s1], $0x2000  }
0x43: {  	[sflag:s1] =	ssyncset.done @!p0 $0x0  }
0x44: {  	[sflag:s1] =	ssyncadd.s32 @!p0 $0xFFFFE000;
	s1 =	sshra.s32 @!p0 s2, $0x2  }
0x45: {  	v4 =	vld @!p0 [tilespmem:s1+$0x12708]  }
0x46: {  	v5 =	vld @!p0 [tilespmem:s1+$0x12718]  }
0x47: {  	v6 =	vld @!p0 [tilespmem:s1+$0x12728]  }
0x48: {  	v7 =	vld @!p0 [tilespmem:s1+$0x12738]  }
0x49: {  	v8 =	vld @!p0 [tilespmem:s1+$0x12748]  }
0x4a: {  	[tilespmem:s1+$0x16808] =	vst @!p0 v4;
	v4 =	vld @!p0 [tilespmem:s1+$0x12768]  }
0x4b: {  	[tilespmem:s1+$0x16818] =	vst @!p0 v5;
	v5 =	vld @!p0 [tilespmem:s1+$0x12778]  }
0x4c: {  	[tilespmem:s1+$0x16828] =	vst @!p0 v6;
	v6 =	vld @!p0 [tilespmem:s1+$0x12758]  }
0x4d: {  	[tilespmem:s1+$0x16838] =	vst @!p0 v7  }
0x4e: {  	[tilespmem:s1+$0x16848] =	vst @!p0 v8  }
0x4f: {  	[tilespmem:s1+$0x16868] =	vst @!p0 v4  }
0x50: {  	s11 =	simm.s32 @!p0 $0x1C808;
	[tilespmem:s1+$0x16878] =	vst @!p0 v5  }
0x51: {  	s9 =	simm.s32 @!p0 $0x5;
	s10 =	sadd.s32 @!p0 $0x16808, s1;
	[tilespmem:s1+$0x16858] =	vst @!p0 v6;
	s1 =	simm.s32 @!p0 $0x80  }
0x52: {  	[spmem:s3] =	stream.indirect.scatter.add.f32 @!p0 [tilespmem:s11], [sflag:$0x5], $0x40, s10, s1, $0xb8;
	[tilespmem:$0x1E818] =	vst v63  }
0x53: {  	s31 =	sadd.s32 $0x3, s31;
	_ =	swait.ge @!p0 [sflag:s9], $0x2000  }
0x54: {  	p3 =	sge.s32 s0, s30;
	p1 =	sge.s32 s31, s30;
	[sflag:s9] =	ssyncset.done @!p0 $0x0  }
0x55: {  	s8 =	simm.s32 @!p0 $0x18788;
	p2 =	sge.s32 s5, s30;
	[sflag:s9] =	ssyncadd.s32 @!p0 $0xFFFFE000  }
0x56: {  	[spmem:s4] =	stream.indirect.scatter.add.f32 @!p0 [tilespmem:s8], [sflag:$0x5], $0x1, s10, s1, $0xb8;
	[tilespmem:$0x1E818] =	vst v63  }
0x57: {  	s5 =	simm.s32 @!p1 $0x80;
	s2 =	sshra.s32 @!p1 s2, $0x2;
	_ =	swait.ge @!p0 [sflag:s9], $0x80  }
0x58: {  	s0 =	sshra.s32 @!p2 s19, $0x2;
	s2 =	sadd.s32 @!p1 $0x14808, s2;
	[sflag:s9] =	ssyncset.done @!p0 $0x0  }
0x59: {  	s1 =	simm.s32 @!p1 $0x18808;
	s8 =	sshra.s32 @!p3 s19, $0x2;
	[sflag:s9] =	ssyncadd.s32 @!p0 $0xFFFFFF80  }
0x5a: {  	[tilespmem:s1], [sflag:$0x1] =	stream.indirect.gather @!p1 [hbm4b:s7+s5], $0x40, s2, s5, $0xb8;
	[tilespmem:$0x1E818] =	vst v63  }
0x5b: {  	s1 =	sadd.s32 @!p3 $0x14888, s8;
	s2 =	simm.s32 @!p3 $0x80;
	s5 =	simm.s32 @!p3 $0x1A808  }
0x5c: {  	[tilespmem:s5], [sflag:$0x2] =	stream.indirect.gather @!p3 [hbm4b:s7+s2], $0x40, s1, s2, $0xb8;
	[tilespmem:$0x1E818] =	vst v63  }
0x5d: {  	s0 =	sadd.s32 @!p2 $0x14908, s0;
	s1 =	simm.s32 @!p2 $0x80;
	s2 =	simm.s32 @!p2 $0x1C808  }
0x5e: {  	[tilespmem:s2], [sflag:$0x3] =	stream.indirect.gather @!p2 [hbm4b:s7+s1], $0x40, s0, s1, $0xb8;
	[tilespmem:$0x1E818] =	vst v63  }
.LBB2_8:
0x5f: {  	s0 =	rddreg [dreg:$0xd]  }
0x60: {  	[bflag:$0x0] =	sbarrier.arrive $0xFFFF;
	s0 =	sor.u32 s0, s29  }
0x61: {  	s2 =	rddreg [dreg:$0xa];
	s1 =	sshll.u32 s0, $0x3  }
0x62: {  	s29 =	sor.u32 $0x1C05, s17;
	s1 =	sadd.s32 s1, s2  }
0x63: {  	[hbm:s1], [sflag:s29] =	dma.local [spmem:s24], $0x2000  }
0x64: {  	_ =	swait.ge [sflag:s18], $0x2000  }
0x65: {  	s30 =	rddreg [dreg:$0xb];
	[sflag:s18] =	ssyncset.done $0x0  }
0x66: {  	s0 =	sadd.s32 s30, s0;
	[sflag:s18] =	ssyncadd.s32 $0xFFFFE000  }
0x67: {  	s28 =	sadd.s32 $0x1, s28;
	s0 =	sshrl.u32 s0, $0x3;
	s31 =	rddreg [dreg:$0x2]  }
0x68: {  	p0 =	sne.s32 s28, $0x10;
	s0 =	sadd.s32 s31, s0  }
0x69: {  	[hbm:s0], [sflag:s29] =	dma.local [spmem:s25], $0x80  }
.Ltmp3:
0x6a: {  	_ =	swait.ge [sflag:s18], $0x80;
	(pc) =	sbr.rel @!p0 .LBB2_9-.Ltmp3, $3  }
0x6b: {  	[sflag:s18] =	ssyncset.done $0x0  }
0x6c: {  	[sflag:s18] =	ssyncadd.s32 $0xFFFFFF80  }
0x6d: {  	[bflag:$0x0] =	sbarrier.arrive $0xFFFF;
	_ =	sdelay $0x1  }
.LBB2_2:
0x6e: {  	s0 =	rddreg [dreg:$0x7]  }
0x6f: {  	[spmem:s21], [sflag:s20] =	dma.local [hbm:s0], $0x2040  }
0x70: {  	s1 =	simm.s32 $0x0;
	s0 =	rddreg [dreg:$0x8]  }
0x71: {  	[spmem:s22], [sflag:s20] =	dma.local [hbm:s0], $0x81  }
0x72: {  	v6 =	vld [tilespmem:s1+$0x10608];
	_ =	sdelay $0x1  }
0x73: {  	s29 =	sshll.u32 s28, $0xE  }
0x74: {  	s31 =	sadd.s32 $0x4000, s29  }
0x75: {  	v4 =	vmov s29;
	v5 =	vmov s31  }
0x76: {  	vm0 =	vge.s32 v6, v4;
	vm1 =	vlt.s32 v6, v5  }
0x77: {  	vm0 =	vmand vm0, vm1  }
0x78: {  	v7 =	vsel vm0, $0x1, v2  }
0x79: {  	(xrf0) =	vadd.scan.msk.s32 $0xffff, v7;
	_ =	sdelay $0x5  }
0x7a: {  	s0 =	simm.s32 $0x0;
	v6 =	vsub.s32 v6, v4;
	v7, _, _ =	vpop (xrf0)  }
0x7b: {  	[tilespmem:s0+$0x12608] =	vst.msk vm0, v6;
	v6 =	vor.u32 s6, v1;
	(v2sf) =	vpush v7, $0xF  }
0x7c: {  	s5 =	simm.s32 $0x10;
	s2 =	simm.s32 $0x80;
	s1 =	smov.u32 s6;
	[tilespmem:s0+$0x14688] =	vst.msk vm0, v6  }
.LBB2_3:
0x7d: {  	p0 =	seq.s32 s2, $0x7FC0;
	v6 =	vld [tilespmem:s5+$0x10608];
	_ =	sdelay $0x4  }
0x7e: {  	vm0 =	vge.s32 v6, v4;
	vm1 =	vlt.s32 v6, v5;
	v6 =	vsub.s32 v6, v4  }
0x7f: {  	vm0 =	vmand vm0, vm1  }
0x80: {  	v7 =	vsel vm0, $0x1, v2  }
0x81: {  	(xrf0) =	vadd.scan.msk.s32 $0xffff, v7;
	_ =	sdelay $0x3  }
.Ltmp4:
0x82: {  	(pc) =	sbr.rel @!p0 .LBB2_3-.Ltmp4, $4  }
0x83: {  	s5 =	spop (v2sf)  }
0x84: {  	s1 =	sadd.s32 $0x10, s1;
	v7, _, _ =	vpop (xrf0);
	s0 =	sadd.s32 s0, s5  }
0x85: {  	[tilespmem:s0+$0x12608] =	vst.msk vm0, v6;
	v6 =	vor.u32 s1, v1;
	(v2sf) =	vpush v7, $0xF  }
0x86: {  	s5 =	sshra.s32 s2, $0x2;
	s2 =	sadd.s32 $0x40, s2;
	[tilespmem:s0+$0x14688] =	vst.msk vm0, v6  }
0x87: {  	v6 =	vld [tilespmem:s5+$0x10608];
	_ =	sdelay $0x4  }
0x88: {  	vm0 =	vge.s32 v6, v4;
	vm1 =	vlt.s32 v6, v5  }
0x89: {  	vm0 =	vmand vm0, vm1  }
0x8a: {  	v5 =	vsel vm0, $0x1, v2  }
0x8b: {  	(xrf0) =	vadd.scan.msk.s32 $0xffff, v5;
	_ =	sdelay $0x5  }
0x8c: {  	v5, _, _ =	vpop (xrf0)  }
0x8d: {  	(v2sf) =	vpush v5, $0xF;
	_ =	sdelay $0xc  }
0x8e: {  	s2 =	spop (v2sf)  }
0x8f: {  	s1 =	sadd.s32 $0x10, s1;
	v4 =	vsub.s32 v6, v4;
	s0 =	sadd.s32 s0, s2  }
0x90: {  	[tilespmem:s0+$0x12608] =	vst.msk vm0, v4;
	v4 =	vor.u32 s1, v1;
	s13 =	spop (v2sf)  }
0x91: {  	[tilespmem:s0+$0x14688] =	vst.msk vm0, v4;
	s0 =	sadd.s32 s0, s13  }
0x92: {  	[tilespmem:s0+$0x12608] =	vst v3  }
0x93: {  	[tilespmem:s0+$0x14688] =	vst v2  }
0x94: {  	[tilespmem:s0+$0x12618] =	vst v3  }
0x95: {  	[tilespmem:s0+$0x14698] =	vst v2  }
0x96: {  	[tilespmem:s0+$0x12628] =	vst v3  }
0x97: {  	[tilespmem:s0+$0x146A8] =	vst v2  }
0x98: {  	[tilespmem:s0+$0x12638] =	vst v3  }
0x99: {  	[tilespmem:s0+$0x146B8] =	vst v2  }
0x9a: {  	[tilespmem:s0+$0x12648] =	vst v3  }
0x9b: {  	[tilespmem:s0+$0x146C8] =	vst v2  }
0x9c: {  	[tilespmem:s0+$0x12658] =	vst v3  }
0x9d: {  	[tilespmem:s0+$0x146D8] =	vst v2  }
0x9e: {  	[tilespmem:s0+$0x12668] =	vst v3  }
0x9f: {  	[tilespmem:s0+$0x146E8] =	vst v2  }
0xa0: {  	[tilespmem:s0+$0x12678] =	vst v3  }
0xa1: {  	s1 =	sadd.s32 $0x7F, s0;
	[tilespmem:s0+$0x146F8] =	vst v2  }
0xa2: {  	s14 =	sshra.s32 s1, $0x1F;
	s15 =	sand.u32 $0x7F, s1;
	_ =	swait.ge [sflag:s23], $0x2040  }
0xa3: {  	p0 =	slt.s32 s1, $0x1;
	s0 =	sshrl.u32 s14, $0x19;
	p1 =	sne.s32 s15, $0x0  }
0xa4: {  	[sflag:s23] =	ssyncset.done $0x0;
	s0 =	sadd.s32 s0, s1;
	p0 =	por !p0, !p1  }
0xa5: {  	[sflag:s23] =	ssyncadd.s32 $0xFFFFDFC0;
	s1 =	simm.s32 $0x1;
	p0 =	por !p0, !p0  }
0xa6: {  	_ =	swait.ge [sflag:s23], $0x81;
	s0 =	sshra.s32 s0, $0x7;
	s1 =	simm.s32 @!p0 $0x0  }
0xa7: {  	[sflag:s23] =	ssyncset.done $0x0;
	s30 =	ssub.s32 s0, s1  }
0xa8: {  	[sflag:s23] =	ssyncadd.s32 $0xFFFFFF7F;
	p0 =	sgt.s32 s30, $0x0  }
0xa9: {  	[bflag:$0x0] =	sbarrier.arrive $0xFFFF;
	s0 =	simm.s32 @p0 $0x80  }
0xaa: {  	s1 =	simm.s32 @p0 $0x14688;
	s2 =	simm.s32 @p0 $0x18808;
	p1 =	seq.s32 @p0 s30, $0x1  }
0xab: {  	[tilespmem:s2], [sflag:$0x1] =	stream.indirect.gather @p0 [hbm4b:s7+s0], $0x40, s1, s0, $0xb8;
	[tilespmem:$0x1E818] =	vst v63  }
0xac: {  	p2 =	por p1, !p0  }
0xad: {  	s0 =	simm.s32 @!p2 $0x80;
	s1 =	simm.s32 @!p2 $0x14708;
	s2 =	simm.s32 @!p2 $0x1A808  }
0xae: {  	[tilespmem:s2], [sflag:$0x2] =	stream.indirect.gather @!p2 [hbm4b:s7+s0], $0x40, s1, s0, $0xb8;
	[tilespmem:$0x1E818] =	vst v63  }
0xaf: {  	p2 =	slt.u32 @!p2 s30, $0x3  }
0xb0: {  	p1 =	por @p0 p2, p1  }
0xb1: {  	s16 =	sadd.s32 $0x2, s30;
	p0 =	por p1, !p0  }
0xb2: {  	s0 =	simm.s32 @!p0 $0x80;
	s1 =	simm.s32 @!p0 $0x14788;
	s2 =	simm.s32 @!p0 $0x1C808  }
0xb3: {  	[tilespmem:s2], [sflag:$0x3] =	stream.indirect.gather @!p0 [hbm4b:s7+s0], $0x40, s1, s0, $0xb8;
	[tilespmem:$0x1E818] =	vst v63  }
0xb4: {  	s19 =	smulhi.u32 $0x55555556, s16;
	s0 =	sshra.s32 s16, $0x1F  }
0xb5: {  	s0 =	smul.u32 $0x55555556, s0;
	_ =	sdelay $0x1  }
0xb6: {  	s0 =	sadd.s32 s0, s19  }
0xb7: {  	s1 =	sshrl.u32 s0, $0x1F  }
0xb8: {  	s0 =	sadd.s32 s1, s0  }
0xb9: {  	s1 =	smul.u32 $0xFFFFFFFD, s0  }
0xba: {  	s26 =	ssub.s32 $0xFFFFFFFE, s30  }
0xbb: {  	p5 =	slt.s32 s30, $0xFFFFFFFF;
	p6 =	sne.s32 s1, s26  }
0xbc: {  	p0 =	por !p5, !p6  }
0xbd: {  	s1 =	simm.s32 $0x1;
	p0 =	por !p0, !p0  }
0xbe: {  	s1 =	simm.s32 @!p0 $0x0  }
0xbf: {  	s0 =	ssub.s32 s0, s1  }
0xc0: {  	p0 =	slt.s32 s0, $0x1  }
.Ltmp5:
0xc1: {  	_ = 	snop;
	(pc) =	sbr.rel @p0 .LBB2_8-.Ltmp5, $2  }
0xc2: {  	_ =	sdelay $0x2  }
0xc3: {  	s31 =	simm.s32 $0x0  }
0xc4: {  	p0 =	sle.s32 s30, $0x0  }
0xc5: {  	s1 =	simm.s32 @!p0 $0x1  }
0xc6: {  	_ =	swait.ge @!p0 [sflag:s1], $0x2000  }
0xc7: {  	[sflag:s1] =	ssyncset.done @!p0 $0x0  }
0xc8: {  	s2 =	simm.s32 @!p0 $0x0;
	[sflag:s1] =	ssyncadd.s32 @!p0 $0xFFFFE000  }
0xc9: {  	v4 =	vld @!p0 [tilespmem:s2+$0x12658]  }
0xca: {  	v5 =	vld @!p0 [tilespmem:s2+$0x12678]  }
0xcb: {  	v6 =	vld @!p0 [tilespmem:s2+$0x12648]  }
0xcc: {  	v7 =	vld @!p0 [tilespmem:s2+$0x12638]  }
0xcd: {  	v8 =	vld @!p0 [tilespmem:s2+$0x12608]  }
0xce: {  	v9 =	vld @!p0 [tilespmem:s2+$0x12628];
	[tilespmem:s2+$0x16758] =	vst @!p0 v4  }
0xcf: {  	v4 =	vld @!p0 [tilespmem:s2+$0x12618];
	[tilespmem:s2+$0x16778] =	vst @!p0 v5  }
0xd0: {  	[tilespmem:s2+$0x16748] =	vst @!p0 v6;
	v5 =	vld @!p0 [tilespmem:s2+$0x12668]  }
0xd1: {  	[tilespmem:s2+$0x16738] =	vst @!p0 v7  }
0xd2: {  	[tilespmem:s2+$0x16708] =	vst @!p0 v8  }
0xd3: {  	[tilespmem:s2+$0x16728] =	vst @!p0 v9  }
0xd4: {  	s5 =	simm.s32 @!p0 $0x18808;
	[tilespmem:s2+$0x16718] =	vst @!p0 v4  }
0xd5: {  	s8 =	simm.s32 @!p0 $0x5;
	s1 =	simm.s32 @!p0 $0x16708;
	[tilespmem:s2+$0x16768] =	vst @!p0 v5;
	s2 =	simm.s32 @!p0 $0x80  }
0xd6: {  	[spmem:s3] =	stream.indirect.scatter.add.f32 @!p0 [tilespmem:s5], [sflag:$0x5], $0x40, s1, s2, $0xb8;
	[tilespmem:$0x1E818] =	vst v63  }
0xd7: {  	_ =	swait.ge @!p0 [sflag:s8], $0x2000  }
0xd8: {  	[sflag:s8] =	ssyncset.done @!p0 $0x0  }
0xd9: {  	s5 =	simm.s32 @!p0 $0x18788;
	[sflag:s8] =	ssyncadd.s32 @!p0 $0xFFFFE000  }
0xda: {  	[spmem:s4] =	stream.indirect.scatter.add.f32 @!p0 [tilespmem:s5], [sflag:$0x5], $0x1, s1, s2, $0xb8;
	[tilespmem:$0x1E818] =	vst v63  }
0xdb: {  	_ =	swait.ge @!p0 [sflag:s8], $0x80  }
0xdc: {  	p2 =	sle.s32 s30, $0x1;
	s11 =	sadd.s32 $0xFFFFFFFF, s0;
	[sflag:s8] =	ssyncset.done @!p0 $0x0  }
0xdd: {  	s1 =	simm.s32 @!p2 $0x2;
	[sflag:s8] =	ssyncadd.s32 @!p0 $0xFFFFFF80;
	p0 =	sne.s32 s11, $0x0  }
.Ltmp6:
0xde: {  	_ =	swait.ge @!p2 [sflag:s1], $0x2000;
	(pc) =	sbr.rel @!p0 .LBB2_7-.Ltmp6, $4  }
0xdf: {  	s0 =	simm.s32 $0x4;
	s19 =	simm.s32 $0x0;
	[sflag:s1] =	ssyncset.done @!p2 $0x0  }
0xe0: {  	s16 =	simm.s32 @!p2 $0x0;
	s15 =	simm.s32 @!p2 $0x5;
	[sflag:s1] =	ssyncadd.s32 @!p2 $0xFFFFE000  }
0xe1: {  	s26 =	simm.s32 @!p2 $0x16788;
	s9 =	simm.s32 @!p2 $0x18788;
	s5 =	simm.s32 $0x5;
	v5 =	vld @!p2 [tilespmem:s16+$0x126F8]  }
0xe2: {  	s2 =	simm.s32 $0x0;
	s8 =	simm.s32 $0x2;
	s1 =	simm.s32 @!p2 $0x80;
	v4 =	vld @!p2 [tilespmem:s16+$0x126E8]  }
.LBB2_6:
0xe3: {  	v6 =	vld @!p2 [tilespmem:s16+$0x126D8]  }
0xe4: {  	s11 =	sadd.s32 $0xFFFFFFFF, s11;
	v7 =	vld @!p2 [tilespmem:s16+$0x126B8]  }
0xe5: {  	p0 =	sne.s32 s11, $0x0;
	v8 =	vld @!p2 [tilespmem:s16+$0x126A8]  }
0xe6: {  	v9 =	vld @!p2 [tilespmem:s16+$0x12698];
	[tilespmem:s16+$0x167F8] =	vst @!p2 v5  }
0xe7: {  	v5 =	vld @!p2 [tilespmem:s16+$0x12688];
	[tilespmem:s16+$0x167E8] =	vst @!p2 v4  }
0xe8: {  	v4 =	vld @!p2 [tilespmem:s16+$0x126C8];
	[tilespmem:s16+$0x167D8] =	vst @!p2 v6  }
0xe9: {  	[tilespmem:s16+$0x167B8] =	vst @!p2 v7  }
0xea: {  	[tilespmem:s16+$0x167A8] =	vst @!p2 v8  }
0xeb: {  	[tilespmem:s16+$0x16798] =	vst @!p2 v9  }
0xec: {  	[tilespmem:s16+$0x16788] =	vst @!p2 v5  }
0xed: {  	s10 =	simm.s32 @!p2 $0x1A808;
	[tilespmem:s16+$0x167C8] =	vst @!p2 v4  }
0xee: {  	[spmem:s3] =	stream.indirect.scatter.add.f32 @!p2 [tilespmem:s10], [sflag:$0x5], $0x40, s26, s1, $0xb8;
	[tilespmem:$0x1E818] =	vst v63  }
0xef: {  	_ =	swait.ge @!p2 [sflag:s15], $0x2000  }
0xf0: {  	s31 =	sadd.s32 $0x3, s31;
	[sflag:s15] =	ssyncset.done @!p2 $0x0  }
0xf1: {  	s16 =	sadd.s32 $0x1, s31;
	s10 =	sadd.s32 $0x2, s31;
	[sflag:s15] =	ssyncadd.s32 @!p2 $0xFFFFE000  }
0xf2: {  	[spmem:s4] =	stream.indirect.scatter.add.f32 @!p2 [tilespmem:s9], [sflag:$0x5], $0x1, s26, s1, $0xb8;
	[tilespmem:$0x1E818] =	vst v63  }
0xf3: {  	p1 =	sge.s32 s31, s30;
	s1 =	sadd.s32 $0x4, s31;
	_ =	swait.ge @!p2 [sflag:s15], $0x80  }
0xf4: {  	p3 =	sge.s32 s8, s30;
	s8 =	sshra.s32 @!p1 s2, $0x2;
	[sflag:s15] =	ssyncset.done @!p2 $0x0  }
0xf5: {  	s12 =	simm.s32 @!p3 $0x3;
	[sflag:s15] =	ssyncadd.s32 @!p2 $0xFFFFFF80;
	s15 =	sadd.s32 @!p1 $0x14808, s8  }
0xf6: {  	s9 =	sadd.s32 $0x5, s31;
	s8 =	smov.u32 s10;
	_ =	swait.ge @!p3 [sflag:s12], $0x2000  }
0xf7: {  	[sflag:s12] =	ssyncset.done @!p3 $0x0  }
0xf8: {  	s10 =	sshra.s32 @!p3 s2, $0x2;
	[sflag:s12] =	ssyncadd.s32 @!p3 $0xFFFFE000  }
0xf9: {  	v4 =	vld @!p3 [tilespmem:s10+$0x12708]  }
0xfa: {  	v5 =	vld @!p3 [tilespmem:s10+$0x12718]  }
0xfb: {  	v6 =	vld @!p3 [tilespmem:s10+$0x12728]  }
0xfc: {  	v7 =	vld @!p3 [tilespmem:s10+$0x12738]  }
0xfd: {  	v8 =	vld @!p3 [tilespmem:s10+$0x12748]  }
0xfe: {  	[tilespmem:s10+$0x16808] =	vst @!p3 v4;
	v4 =	vld @!p3 [tilespmem:s10+$0x12768]  }
0xff: {  	[tilespmem:s10+$0x16818] =	vst @!p3 v5;
	v5 =	vld @!p3 [tilespmem:s10+$0x12778]  }
0x100: {  	[tilespmem:s10+$0x16828] =	vst @!p3 v6;
	v6 =	vld @!p3 [tilespmem:s10+$0x12758]  }
0x101: {  	[tilespmem:s10+$0x16838] =	vst @!p3 v7  }
0x102: {  	[tilespmem:s10+$0x16848] =	vst @!p3 v8  }
0x103: {  	[tilespmem:s10+$0x16868] =	vst @!p3 v4  }
0x104: {  	s26 =	simm.s32 @!p3 $0x5;
	[tilespmem:s10+$0x16878] =	vst @!p3 v5  }
0x105: {  	s13 =	simm.s32 @!p3 $0x1C808;
	s12 =	sadd.s32 @!p3 $0x16808, s10;
	[tilespmem:s10+$0x16858] =	vst @!p3 v6;
	s10 =	simm.s32 @!p3 $0x80  }
0x106: {  	[spmem:s3] =	stream.indirect.scatter.add.f32 @!p3 [tilespmem:s13], [sflag:$0x5], $0x40, s12, s10, $0xb8;
	[tilespmem:$0x1E818] =	vst v63  }
0x107: {  	_ =	swait.ge @!p3 [sflag:s26], $0x2000  }
0x108: {  	[sflag:s26] =	ssyncset.done @!p3 $0x0  }
0x109: {  	s2 =	sadd.s32 $0x600, s2;
	s13 =	simm.s32 @!p3 $0x18788;
	[sflag:s26] =	ssyncadd.s32 @!p3 $0xFFFFE000  }
0x10a: {  	[spmem:s4] =	stream.indirect.scatter.add.f32 @!p3 [tilespmem:s13], [sflag:$0x5], $0x1, s12, s10, $0xb8;
	[tilespmem:$0x1E818] =	vst v63  }
0x10b: {  	p2 =	sge.s32 s5, s30;
	s12 =	simm.s32 @!p1 $0x18808;
	_ =	swait.ge @!p3 [sflag:s26], $0x80  }
0x10c: {  	p4 =	sge.s32 s0, s30;
	s0 =	sshra.s32 @!p2 s19, $0x2;
	[sflag:s26] =	ssyncset.done @!p3 $0x0  }
0x10d: {  	s5 =	sshra.s32 @!p4 s19, $0x2;
	s10 =	simm.s32 @!p1 $0x80;
	[sflag:s26] =	ssyncadd.s32 @!p3 $0xFFFFFF80  }
0x10e: {  	[tilespmem:s12], [sflag:$0x1] =	stream.indirect.gather @!p1 [hbm4b:s7+s10], $0x40, s15, s10, $0xb8;
	[tilespmem:$0x1E818] =	vst v63  }
0x10f: {  	s5 =	sadd.s32 @!p4 $0x14888, s5;
	s13 =	simm.s32 @!p4 $0x80;
	s15 =	simm.s32 @!p4 $0x1A808  }
0x110: {  	[tilespmem:s15], [sflag:$0x2] =	stream.indirect.gather @!p4 [hbm4b:s7+s13], $0x40, s5, s13, $0xb8;
	[tilespmem:$0x1E818] =	vst v63  }
0x111: {  	s0 =	sadd.s32 @!p2 $0x14908, s0;
	s5 =	simm.s32 @!p2 $0x80;
	s13 =	simm.s32 @!p2 $0x1C808  }
0x112: {  	[tilespmem:s13], [sflag:$0x3] =	stream.indirect.gather @!p2 [hbm4b:s7+s5], $0x40, s0, s5, $0xb8;
	[tilespmem:$0x1E818] =	vst v63  }
0x113: {  	s19 =	smov.u32 s2;
	s0 =	smov.u32 s1;
	s5 =	smov.u32 s9  }
0x114: {  	_ = 	snop  }
0x115: {  	s1 =	simm.s32 @!p1 $0x1  }
0x116: {  	_ =	swait.ge @!p1 [sflag:s1], $0x2000  }
0x117: {  	s9 =	sshra.s32 @!p1 s2, $0x2;
	[sflag:s1] =	ssyncset.done @!p1 $0x0  }
0x118: {  	[sflag:s1] =	ssyncadd.s32 @!p1 $0xFFFFE000  }
0x119: {  	v4 =	vld @!p1 [tilespmem:s9+$0x12658]  }
0x11a: {  	v5 =	vld @!p1 [tilespmem:s9+$0x12678]  }
0x11b: {  	v6 =	vld @!p1 [tilespmem:s9+$0x12648]  }
0x11c: {  	v7 =	vld @!p1 [tilespmem:s9+$0x12638]  }
0x11d: {  	v8 =	vld @!p1 [tilespmem:s9+$0x12608]  }
0x11e: {  	v9 =	vld @!p1 [tilespmem:s9+$0x12628];
	[tilespmem:s9+$0x16758] =	vst @!p1 v4  }
0x11f: {  	v4 =	vld @!p1 [tilespmem:s9+$0x12618];
	[tilespmem:s9+$0x16778] =	vst @!p1 v5  }
0x120: {  	[tilespmem:s9+$0x16748] =	vst @!p1 v6;
	v5 =	vld @!p1 [tilespmem:s9+$0x12668]  }
0x121: {  	p2 =	sge.s32 s16, s30;
	[tilespmem:s9+$0x16738] =	vst @!p1 v7  }
0x122: {  	s16 =	sshra.s32 @!p2 s2, $0x2;
	s15 =	simm.s32 @!p2 $0x5;
	[tilespmem:s9+$0x16708] =	vst @!p1 v8  }
0x123: {  	s26 =	sadd.s32 @!p2 $0x16788, s16;
	s1 =	simm.s32 @!p2 $0x80;
	[tilespmem:s9+$0x16728] =	vst @!p1 v9  }
0x124: {  	s13 =	sadd.s32 @!p1 $0x16708, s9;
	[tilespmem:s9+$0x16718] =	vst @!p1 v4  }
0x125: {  	s14 =	simm.s32 @!p1 $0x5;
	[tilespmem:s9+$0x16768] =	vst @!p1 v5  }
0x126: {  	[spmem:s3] =	stream.indirect.scatter.add.f32 @!p1 [tilespmem:s12], [sflag:$0x5], $0x40, s13, s10, $0xb8;
	[tilespmem:$0x1E818] =	vst v63  }
0x127: {  	s9 =	simm.s32 @!p2 $0x18788;
	_ =	swait.ge @!p1 [sflag:s14], $0x2000  }
0x128: {  	[sflag:s14] =	ssyncset.done @!p1 $0x0  }
0x129: {  	s12 =	simm.s32 @!p1 $0x18788;
	[sflag:s14] =	ssyncadd.s32 @!p1 $0xFFFFE000  }
0x12a: {  	[spmem:s4] =	stream.indirect.scatter.add.f32 @!p1 [tilespmem:s12], [sflag:$0x5], $0x1, s13, s10, $0xb8;
	[tilespmem:$0x1E818] =	vst v63  }
0x12b: {  	_ =	swait.ge @!p1 [sflag:s14], $0x80  }
0x12c: {  	[sflag:s14] =	ssyncset.done @!p1 $0x0  }
0x12d: {  	s10 =	simm.s32 @!p2 $0x2;
	[sflag:s14] =	ssyncadd.s32 @!p1 $0xFFFFFF80  }
.Ltmp7:
0x12e: {  	_ =	swait.ge @!p2 [sflag:s10], $0x2000;
	(pc) =	sbr.rel @p0 .LBB2_6-.Ltmp7, $4  }
0x12f: {  	[sflag:s10] =	ssyncset.done @!p2 $0x0  }
0x130: {  	[sflag:s10] =	ssyncadd.s32 @!p2 $0xFFFFE000  }
0x131: {  	v5 =	vld @!p2 [tilespmem:s16+$0x126F8]  }
0x132: {  	v4 =	vld @!p2 [tilespmem:s16+$0x126E8]  }
.Ltmp8:
0x133: {  	_ = 	snop;
	(pc) =	sbr.rel .LBB2_7-.Ltmp8, $1  }
0x134: {  	_ =	sdelay $0x3  }
.LBB2_10:
0x135: {  	_ =	sfence.sel $0x180000  }
0x136: {  	[bflag:$0x0] =	sbarrier.arrive $0xFFFF  }
0x137: {  	_ =	strace $0x90000047  }
0x138: {  	s0 =	stileid.u32;
	[bflag:$0x2] =	sbarrier.arrive $0xFFFF  }
0x139: {  	p0 =	sne.s32 s0, $0x0;
	s0 =	rddreg [dreg:$0x5]  }
0x13a: {  	s0 =	sadd.s32 @!p0 $0x100000, s0  }
0x13b: {  	[sflag:s0] =	ssyncadd.tile.s32 @!p0 $0x1;
	_ =	shalt  }
.Lfunc_end2:
_tile_overlayer_lowered:
.L_overlay_start_2:
0x13c: {  	(tag) =	ssettag $0x2  }
0x13d: {  	s0 =	rddreg [dreg:$0x0];
	s2 =	stileid.u32  }
0x13e: {  	s1 =	rddreg [dreg:$0x1];
	p0 =	sne.s32 s2, $0x0  }
0x13f: {  	s3 =	rddreg [dreg:$0x2];
	[bflag:$0x3] =	sbarrier.arrive $0xFFFF;
	s2 =	simm.s32 @!p0 $0x1C05  }
0x140: {  	[timem:s3], [sflag:s2] =	dma.local @!p0 [hbm:s0], s1  }
0x141: {  	s0 =	simm.s32 @!p0 $0x5  }
0x142: {  	_ =	swait.ge @!p0 [sflag:s0], s1  }
0x143: {  	s1 =	ssub.s32 @!p0 $0x0, s1;
	[sflag:s0] =	ssyncset.done @!p0 $0x0  }
0x144: {  	[sflag:s0] =	ssyncadd.s32 @!p0 s1  }
0x145: {  	[bflag:$0x3] =	sbarrier.arrive $0xFFFF  }
0x146: {  	_ =	shalt  }

// kernel: sparse-core-data-format-call.cloned.1.call-start
scs
called_computation_lowered:
.L_overlay_start_0:
0x0: {  	s2 =	sld [smem:$0x3FD9]  }
0x1: {  	s3 =	sld [smem:$0x3FFE];
	_ =	sdelay $0x1  }
0x2: {  	s1 =	srdreg.scid  }
0x3: {  	s0 =	sand.u32 $0x1, s1  }
0x4: {  	s15 =	sshll.u32 s0, $0xA;
	s2 =	sadd.s32 s3, s2  }
0x5: {  	s2 =	sadd.s32 s2, s15  }
0x6: {  	[smem:$0x3FC4] =	sst s2  }
0x7: {  	_ = 	snop  }
0x8: {  	s2 =	sld [smem:$0x3FD0];
	_ =	sdelay $0x2  }
0x9: {  	s16 =	simm.s32 $0xA;
	s4 =	simm.s32 $0x10  }
0xa: {  	[smem:s4], [sflag:s16] =	dma.local [hbm:s2], $0x1  }
0xb: {  	_ =	swait.eq [sflag:s16], $0x1  }
0xc: {  	[sflag:s16] =	ssyncset.done $0x0  }
0xd: {  	[sflag:s16] =	ssyncadd.s32 $0xFFFFFFFF  }
0xe: {  	s17 =	sld [smem:$0x10];
	(tm) =	ssettm $0x1  }
0xf: {  	s18 =	sld [smem:$0x3FFB];
	_ =	sdelay $0x3  }
0x10: {  	_ =	strace s18  }
0x11: {  	s3 =	sld [smem:$0x3FFC];
	_ =	sdelay $0x3  }
0x12: {  	_ =	strace s3  }
0x13: {  	s3 =	sld [smem:$0x3FFD];
	_ =	sdelay $0x3  }
0x14: {  	_ =	strace s3  }
0x15: {  	_ =	strace $0x8FFFFFFF  }
0x16: {  	s19 =	sld [smem:$0x3FDB];
	_ =	sdelay $0x1  }
0x17: {  	s20 =	simm.s32 $_scs_section_size  }
0x18: {  	s5 =	simm.s32 $_size__tile_overlayer_lowered;
	s6 =	simm.s32 $_tile_overlayer_lowered  }
0x19: {  	s23 =	simm.s32 $0x1BFF;
	s22 =	sshll.u32 s6, $0x1;
	s3 =	sadd.s32 s20, s19  }
0x1a: {  	s7 =	simm.s32 $0x0;
	s21 =	sshll.u32 s5, $0x1;
	s5 =	sadd.s32 s22, s3  }
0x1b: {  	[timem:s7], [sflag:s23] =	dma.local [hbm:s5], s21  }
0x1c: {  	_ =	swait.ge [sflag:s23], s21  }
0x1d: {  	s4 =	ssub.s32 $0x0, s21;
	[sflag:s23] =	ssyncset.done $0x0  }
0x1e: {  	[sflag:s23] =	ssyncadd.s32 s4;
	_ =	sdelay $0x1  }
0x1f: {  	s24 =	simm.s32 $0x1B8B  }
0x20: {  	_ =	swait.ge [sflag:s24], $0x1  }
0x21: {  	[sflag:s24] =	ssyncset.done $0x0  }
0x22: {  	s26 =	simm.s32 $0x1B8E;
	s25 =	sld [smem:$0x3FFE];
	[sflag:s24] =	ssyncadd.s32 $0xFFFFFFFF  }
0x23: {  	s27 =	simm.s32 $execute0_lowered;
	[smem:$0x3FD2] =	sst s26  }
0x24: {  	s5 =	sshll.u32 s27, $0x1;
	_ =	strace $0x80000049;
	[dreg:$0x1] =	wrdreg $0xFFFFFFFF  }
0x25: {  	s28 =	simm.s32 $_size_execute0_lowered;
	s3 =	sadd.s32 s3, s5;
	[dreg:$0x0] =	wrdreg $0x0  }
0x26: {  	s5 =	sshll.u32 s28, $0x1;
	[dreg:$0x2] =	wrdreg s3  }
0x27: {  	[dreg:$0x3] =	wrdreg s5  }
0x28: {  	[dreg:$0x4] =	wrdreg $0xC0  }
0x29: {  	_ =	task [dreg:s7], $0x5FFFF  }
0x2a: {  	[dreg:$0x1] =	wrdreg $0xFFFFFFFF  }
0x2b: {  	[dreg:$0x0] =	wrdreg $0x60  }
0x2c: {  	[dreg:$0x2] =	wrdreg s25  }
0x2d: {  	[dreg:$0x3] =	wrdreg s17  }
0x2e: {  	[dreg:$0x4] =	wrdreg $0x9  }
0x2f: {  	_ =	task.clear_ibuf [dreg:s7], $0x5FFFF;
	_ =	strace $0x90000049  }
0x30: {  	s29 =	simm.s32 $0x9;
	_ =	strace $0x8000004B  }
0x31: {  	_ =	swait.ge [sflag:s29], $0x1  }
0x32: {  	[sflag:s29] =	ssyncadd.s32 $0xFFFFFFFF  }
0x33: {  	_ =	strace $0x9000004B  }
0x34: {  	_ =	sfence  }
0x35: {  	s30 =	sld [smem:$0x0];
	_ =	sdelay $0x2  }
0x36: {  	s31 =	sshll.u32 s1, $0xD;
	s1 =	sshrl.u32 s1, $0x2  }
0x37: {  	s3 =	sand.u32 $0x4000, s31;
	s1 =	sadd.s32 s1, s30  }
0x38: {  	s0 =	sor.u32 s3, s0;
	s1 =	sshll.u32 s1, $0x11  }
0x39: {  	s0 =	sor.u32 s1, s0  }
0x3a: {  	s0 =	sadd.s32 $0x8F2B, s0  }
0x3b: {  	[sflag:s0] =	ssyncadd.remote.s32 $0x1  }
0x3c: {  	_ =	sfence.sel $0xFFFF  }
0x3d: {  	[dreg:$0x0] =	wrdreg $0xFFFFFFFF;
	(pc) =	sbr.abs _section_cstart, $3  }
0x3e: {  	[dreg:$0x1] =	wrdreg $0xFFFFFFFF  }
0x3f: {  	_ =	task.clear_ibuf [dreg:s7], $0x2FFFF;
	_ =	strace $0x9FFFFFFF  }
0x40: {  	(tm) =	ssettm $0x7FFFFFFF  }
0x41: {  	_ =	shalt  }
tec
execute0_lowered:
.L_overlay_start_1:
0x0: {  	(tag) =	ssettag $0x1  }
0x1: {  	s0 =	rddreg [dreg:$0x0];
	s2 =	srdreg.scid  }
0x2: {  	s1 =	rddreg [dreg:$0x1];
	_ =	strace $0x8000004A;
	s4 =	simm.s32 $0x1  }
0x3: {  	s6 =	simm.s32 $0x2;
	s15 =	simm.s32 $0x0;
	s8 =	simm.s32 $0x40000  }
0x4: {  	s9 =	simm.s32 $0x0;
	s16 =	simm.s32 $0x0;
	s18 =	simm.s32 $0x0  }
0x5: {  	s17 =	simm.s32 $0x0;
	s10 =	simm.s32 $0x0;
	s2 =	sshll.u32 s2, $0x3  }
0x6: {  	s11 =	simm.s32 $0x0;
	s13 =	stileid.u32;
	s2 =	sand.u32 $0x8, s2  }
.Ltmp0:
0x7: {  	s14 =	simm.s32 $0x0;
	s3 =	ssub.s32 $0x200, s2;
	(pc) =	sbr.rel .LBB1_1-.Ltmp0, $4  }
0x8: {  	s24 =	simm.s32 $0x0;
	s5 =	sadd.s32 $0x801800, s0;
	s31 =	sshrl.u32 s3, $0x3  }
0x9: {  	[sflag:s4] =	ssyncpa.u1 $0x0;
	s7 =	sshrl.u32 s3, $0x4;
	s0 =	sand.u32 $0x1, s31  }
0xa: {  	[sflag:s6] =	ssyncpa.u1 $0x0;
	s12 =	smov.u32 s2;
	s0 =	sadd.s32 s7, s0  }
0xb: {  	s3 =	stileid.u32;
	s6 =	sshll.u32 s0, $0x1;
	s7 =	sshllo.u32 s0, $0x1  }
.LBB1_7:
0xc: {  	s0 =	sadd.s32 $0x100, s10  }
0xd: {  	s15 =	sadd.s32 $0x8, s11;
	s19 =	smov.u32 s11;
	p1 =	sgt.s32 s0, $0x1FF  }
0xe: {  	s19 =	smov.u32 @p1 s15  }
0xf: {  	s20 =	smov.u32 s12;
	s15 =	sadd.s32 $0x10, s12;
	p2 =	sgt.s32 s19, $0x7  }
0x10: {  	s20 =	smov.u32 @p2 s15  }
0x11: {  	s21 =	smov.u32 s13;
	s15 =	sadd.s32 $0x10, s13;
	p3 =	sgt.s32 s20, $0x1FF  }
0x12: {  	p0 =	slt.u32 s14, $0x2;
	s21 =	smov.u32 @p3 s15  }
0x13: {  	s16 =	smov.u32 s11;
	s0 =	simm.s32 @p1 $0x0;
	p1 =	sgt.s32 s21, $0xF  }
0x14: {  	s22 =	simm.s32 @!p0 $0x2;
	s21 =	smov.u32 @p1 s3;
	p1 =	sne.s32 s14, s7  }
.Ltmp1:
0x15: {  	s18 =	smov.u32 s12;
	_ =	swait.ge @!p0 [sflag:s22], $0x4000;
	(pc) =	sbr.rel @!p1 .LBB1_8-.Ltmp1, $4  }
0x16: {  	s17 =	smov.u32 s13;
	[sflag:s22] =	ssyncset.done @!p0 $0x0;
	s19 =	simm.s32 @p2 $0x0  }
0x17: {  	s9 =	sadd.s32 $0x4000, s9;
	[sflag:s22] =	ssyncadd.s32 @!p0 $0xFFFFC000;
	s11 =	smov.u32 s19  }
0x18: {  	s20 =	smov.u32 @p3 s2;
	s15 =	smov.u32 s10;
	s10 =	smov.u32 s0  }
0x19: {  	s12 =	smov.u32 s20;
	s14 =	sadd.s32 $0x1, s14;
	s13 =	smov.u32 s21  }
.LBB1_1:
0x1a: {  	p0 =	sge.u32 s14, s6  }
0x1b: {  	s31 =	sadd.s32 $0xFFFFFFFF, s14;
	s0 =	sxor.u32 @!p0 $0xFFFFFFFF, s14;
	s19 =	sshll.u32 @!p0 s10, $0x3  }
0x1c: {  	s20 =	sshll.u32 @!p0 s11, $0x7;
	s21 =	sand.u32 @!p0 $0x78, s10;
	s22 =	sshll.u32 @!p0 s13, $0x12  }
0x1d: {  	s23 =	sshll.u32 @!p0 s12, $0x9;
	s0 =	sshll.u32 @!p0 s0, $0xE;
	s20 =	sand.u32 @!p0 $0x380, s20  }
0x1e: {  	s19 =	sand.u32 @!p0 $0xC00, s19;
	s0 =	sand.u32 @!p0 $0x4000, s0;
	s20 =	sor.u32 @!p0 s21, s20  }
0x1f: {  	s21 =	sand.u32 @!p0 $0x7, s10;
	s19 =	sor.u32 @!p0 s19, s20;
	s20 =	sadd.s32 @!p0 s5, s22  }
0x20: {  	s21 =	sshll.u32 @!p0 s21, $0x12;
	s19 =	sshrl.u32 @!p0 s19, $0x3;
	s20 =	sadd.s32 @!p0 s23, s20  }
0x21: {  	s19 =	sadd.s32 @!p0 s19, s20;
	s20 =	sor.u32 @!p0 $0x800, s21;
	s21 =	simm.s32 @!p0 $0x1000  }
0x22: {  	[tilespmem:s0], [sflag:$0x1] =	stream.strided.gather @!p0 [hbm4b:s19+s20], $0x4000, s21, s20, $0x38;
	[tilespmem:$0x10000] =	vst v63  }
0x23: {  	p0 =	sge.u32 s31, s6  }
.Ltmp2:
0x24: {  	_ = 	snop;
	(pc) =	sbr.rel @p0 .LBB1_7-.Ltmp2, $1  }
0x25: {  	_ =	sdelay $0x3  }
0x26: {  	s0 =	sshll.u32 s9, $0x2;
	_ =	swait.ge [sflag:s4], $0x4000;
	s19 =	sshll.u32 s14, $0xE  }
0x27: {  	p0 =	por $0x0, $0x0;
	s25 =	simm.s32 $0x0;
	s26 =	simm.s32 $0x0  }
0x28: {  	s0 =	sand.u32 $0x10000, s0;
	[sflag:s4] =	ssyncset.done $0x0;
	s22 =	sand.u32 $0x4000, s19  }
0x29: {  	s0 =	sshrl.u32 s0, $0x2;
	[sflag:s4] =	ssyncadd.s32 $0xFFFFC000;
	s19 =	sor.u32 $0x8000, s22  }
0x2a: {  	s20 =	sor.u32 $0x40, s0;
	s21 =	sor.u32 $0x8410, s0;
	s23 =	sadd.s32 $0x8400, s0  }
.LBB1_3:
0x2b: {  	v1 =	vld [tilespmem:s20+$0xFFFFFFD0]  }
0x2c: {  	v2 =	vld [tilespmem:s20+$0x430]  }
0x2d: {  	s0 =	sshll.u32 s26, $0xB;
	v4 =	vld [tilespmem:s20+$0xFFFFFFE0]  }
0x2e: {  	v7 =	vld [tilespmem:s20+$0xFFFFFFF0];
	v0 =	vmov s0  }
0x2f: {  	v8 =	vld [tilespmem:s20+$0x0]  }
0x30: {  	v9 =	vld [tilespmem:s20+$0x10];
	s0 =	sand.u32 $0x300, s24  }
0x31: {  	s27 =	sand.u32 $0x80, s24;
	v10 =	vld [tilespmem:s20+$0x20];
	s0 =	sadd.s32 s0, s22  }
0x32: {  	v11 =	vld [tilespmem:s20+$0x30];
	s0 =	sadd.s32 s27, s0;
	s27 =	simm.s32 $0x1;
	[tilespmem:s21+$0x60] =	vst v2  }
0x33: {  	s27 =	simm.s32 @!p0 $0x0;
	[tilespmem:s21+$0xFFFFFC00] =	vst v1;
	v3 =	vld.idx.msk [tilespmem:v0+s0+$0x400 ss:$0x1], $0xffff;
	s0 =	sshll.u32 s25, $0x2  }
0x34: {  	v6 =	vld [tilespmem:s20+$0x3D0];
	s27 =	sshll.u32 s27, $0x9;
	[tilespmem:s21+$0xFFFFFC10] =	vst v4;
	s0 =	sand.u32 $0xFFFFFC00, s0  }
0x35: {  	v5 =	vld [tilespmem:s20+$0x3E0];
	[tilespmem:s21+$0xFFFFFC20] =	vst v7;
	s0 =	sor.u32 s27, s0  }
0x36: {  	[tilespmem:s21+$0xFFFFFC30] =	vst v8;
	v4 =	vld [tilespmem:s20+$0x400];
	s0 =	sshrl.u32 s0, $0x2  }
0x37: {  	[tilespmem:s21+$0xFFFFFC40] =	vst v9;
	v1 =	vld [tilespmem:s20+$0x410];
	s27 =	sadd.s32 s0, s23  }
0x38: {  	[tilespmem:s27+$0x0] =	vst v3;
	v3 =	vld [tilespmem:s20+$0x3F0]  }
0x39: {  	s31 =	simm.s32 $0x80;
	s30 =	simm.s32 $0x100;
	[tilespmem:s21+$0xFFFFFC50] =	vst v10;
	v2 =	vld [tilespmem:s20+$0x420]  }
0x3a: {  	s28 =	sadd.s32 $0x80, s20;
	s29 =	smov.u32 s21;
	v7 =	vld [tilespmem:s20+$0xFFFFFFC0];
	[tilespmem:s21+$0xFFFFFC60] =	vst v11;
	s0 =	sand.u32 $0x300, s31  }
.LBB1_4:
0x3b: {  	p1 =	sne.s32 s30, $0x380;
	v8 =	vld [tilespmem:s28+$0xFFFFFFD0];
	s31 =	sand.u32 $0x80, s31;
	s0 =	sadd.s32 s0, s22;
	[tilespmem:s29+$0x0] =	vst v6  }
0x3c: {  	s0 =	sadd.s32 s31, s0;
	v6 =	vld [tilespmem:s28+$0x430];
	[tilespmem:s29+$0x10] =	vst v5;
	s31 =	smov.u32 s30  }
0x3d: {  	v5 =	vld.idx.msk [tilespmem:v0+s0+$0x400 ss:$0x1], $0xffff;
	[tilespmem:s29+$0x20] =	vst v3  }
0x3e: {  	v3 =	vld [tilespmem:s28+$0xFFFFFFE0];
	[tilespmem:s29+$0x30] =	vst v4  }
0x3f: {  	v4 =	vld [tilespmem:s28+$0xFFFFFFF0];
	[tilespmem:s29+$0xFFFFFBF0] =	vst v7  }
0x40: {  	v7 =	vld [tilespmem:s28+$0x0];
	[tilespmem:s29+$0x40] =	vst v1  }
0x41: {  	v1 =	vld [tilespmem:s28+$0x10];
	[tilespmem:s29+$0x50] =	vst v2;
	s29 =	sadd.s32 $0x800, s29  }
0x42: {  	s27 =	sadd.s32 $0x800, s27;
	v2 =	vld [tilespmem:s28+$0x20];
	[tilespmem:s29+$0x60] =	vst v6  }
0x43: {  	v9 =	vld [tilespmem:s28+$0x30];
	[tilespmem:s27+$0x0] =	vst v5  }
0x44: {  	[tilespmem:s29+$0xFFFFFC00] =	vst v8;
	v6 =	vld [tilespmem:s28+$0x3D0]  }
0x45: {  	[tilespmem:s29+$0xFFFFFC10] =	vst v3;
	v5 =	vld [tilespmem:s28+$0x3E0]  }
.Ltmp3:
0x46: {  	[tilespmem:s29+$0xFFFFFC20] =	vst v4;
	v3 =	vld [tilespmem:s28+$0x3F0];
	(pc) =	sbr.rel @p1 .LBB1_4-.Ltmp3, $4  }
0x47: {  	[tilespmem:s29+$0xFFFFFC30] =	vst v7;
	v4 =	vld [tilespmem:s28+$0x400]  }
0x48: {  	[tilespmem:s29+$0xFFFFFC40] =	vst v1;
	v1 =	vld [tilespmem:s28+$0x410]  }
0x49: {  	[tilespmem:s29+$0xFFFFFC50] =	vst v2;
	v2 =	vld [tilespmem:s28+$0x420]  }
0x4a: {  	s30 =	sadd.s32 $0x80, s30;
	s0 =	sand.u32 $0x300, s31;
	v7 =	vld [tilespmem:s28+$0xFFFFFFC0];
	[tilespmem:s29+$0xFFFFFC60] =	vst v9;
	s28 =	sadd.s32 $0x80, s28  }
0x4b: {  	[tilespmem:s29+$0x0] =	vst v6  }
0x4c: {  	[tilespmem:s29+$0x10] =	vst v5  }
0x4d: {  	v49 =	vld [tilespmem:s28+$0x430];
	[tilespmem:s29+$0x20] =	vst v3  }
0x4e: {  	v50 =	vld [tilespmem:s28+$0xFFFFFFD0];
	[tilespmem:s29+$0x30] =	vst v4  }
0x4f: {  	v51 =	vld [tilespmem:s28+$0xFFFFFFE0];
	[tilespmem:s29+$0x40] =	vst v1  }
0x50: {  	v52 =	vld [tilespmem:s28+$0xFFFFFFF0];
	[tilespmem:s29+$0x50] =	vst v2  }
0x51: {  	s30 =	sand.u32 $0x80, s31;
	s31 =	sadd.s32 $0x800, s29;
	v53 =	vld [tilespmem:s28+$0x0];
	[tilespmem:s29+$0xFFFFFBF0] =	vst v7  }
0x52: {  	v54 =	vld [tilespmem:s28+$0x10];
	[tilespmem:s31+$0x60] =	vst v49  }
0x53: {  	v55 =	vld [tilespmem:s28+$0x20];
	[tilespmem:s31+$0xFFFFFC00] =	vst v50  }
0x54: {  	v56 =	vld [tilespmem:s28+$0x30];
	[tilespmem:s31+$0xFFFFFC10] =	vst v51  }
0x55: {  	v57 =	vld [tilespmem:s28+$0x3D0];
	[tilespmem:s31+$0xFFFFFC20] =	vst v52  }
0x56: {  	v58 =	vld [tilespmem:s28+$0x3E0];
	[tilespmem:s31+$0xFFFFFC30] =	vst v53  }
0x57: {  	v59 =	vld [tilespmem:s28+$0x3F0];
	[tilespmem:s31+$0xFFFFFC40] =	vst v54  }
0x58: {  	v60 =	vld [tilespmem:s28+$0x400];
	[tilespmem:s31+$0xFFFFFC50] =	vst v55  }
0x59: {  	v61 =	vld [tilespmem:s28+$0xFFFFFFC0];
	[tilespmem:s31+$0xFFFFFC60] =	vst v56  }
0x5a: {  	s0 =	sadd.s32 s0, s22;
	v62 =	vld [tilespmem:s28+$0x410];
	[tilespmem:s31+$0x0] =	vst v57  }
0x5b: {  	v63 =	vld [tilespmem:s28+$0x420];
	s26 =	sadd.s32 $0x1, s26;
	s0 =	sadd.s32 s30, s0;
	[tilespmem:s31+$0x10] =	vst v58  }
0x5c: {  	p1 =	sne.s32 s26, $0x8;
	v0 =	vld.idx.msk [tilespmem:v0+s0+$0x400 ss:$0x1], $0xffff;
	[tilespmem:s31+$0x20] =	vst v59  }
.Ltmp4:
0x5d: {  	[tilespmem:s31+$0x30] =	vst v60;
	(pc) =	sbr.rel @p1 .LBB1_3-.Ltmp4, $4  }
0x5e: {  	[tilespmem:s31+$0xFFFFFBF0] =	vst v61  }
0x5f: {  	[tilespmem:s31+$0x40] =	vst v62  }
0x60: {  	s27 =	sadd.s32 $0x800, s27;
	s20 =	sadd.s32 $0x800, s20;
	[tilespmem:s31+$0x50] =	vst v63  }
0x61: {  	s25 =	sadd.s32 $0x80, s25;
	p0 =	por !p0, !p0;
	s21 =	sadd.s32 $0x80, s21;
	[tilespmem:s27+$0x0] =	vst v0  }
0x62: {  	s0 =	sand.u32 $0x78, s15  }
0x63: {  	s20 =	sshll.u32 s18, $0x9;
	s21 =	sshll.u32 s15, $0x3;
	s27 =	sshll.u32 s18, $0x7  }
0x64: {  	s17 =	sshll.u32 s17, $0x12;
	s16 =	sshll.u32 s16, $0xF;
	s30 =	sand.u32 $0x7, s15  }
0x65: {  	s20 =	sand.u32 $0x3F000, s20;
	s21 =	sand.u32 $0x3FC00, s21;
	s28 =	sand.u32 $0x200, s27  }
0x66: {  	s18 =	sand.u32 $0x180, s27;
	s17 =	sadd.s32 s1, s17;
	s20 =	sadd.s32 s20, s21  }
.Ltmp5:
0x67: {  	s0 =	sor.u32 s18, s0;
	s20 =	sor.u32 s28, s20;
	(pc) =	sbr.rel .LBB1_7-.Ltmp5, $4  }
0x68: {  	s16 =	sadd.s32 s16, s17;
	s0 =	sshrl.u32 s0, $0x3;
	s29 =	sshrl.u32 s20, $0x3  }
0x69: {  	s15 =	sshll.u32 s30, $0x12;
	s0 =	sadd.s32 s0, s16;
	s31 =	sand.u32 $0x7FC0, s29  }
0x6a: {  	s15 =	sor.u32 $0x800, s15;
	s0 =	sadd.s32 s31, s0  }
0x6b: {  	[hbm4b:s0+s15] =	stream.strided.scatter [tilespmem:s19], [sflag:$0x2], $0x4000, s8, s15, $0x38;
	[tilespmem:$0x10000] =	vst v63  }
.LBB1_8:
0x6c: {  	_ =	sfence.sel $0x180000  }
0x6d: {  	s0 =	simm.s32 $0x1;
	[bflag:$0x0] =	sbarrier.arrive $0xFFFF  }
0x6e: {  	s31 =	simm.s32 $0x2;
	[sflag:s0] =	ssyncpa.u1 $0x1  }
0x6f: {  	[sflag:s31] =	ssyncpa.u1 $0x1  }
0x70: {  	_ =	strace $0x9000004A  }
0x71: {  	[bflag:$0x2] =	sbarrier.arrive $0xFFFF  }
0x72: {  	p0 =	sne.s32 s3, $0x0;
	s0 =	rddreg [dreg:$0x2]  }
0x73: {  	s0 =	sadd.s32 @!p0 $0x100000, s0  }
0x74: {  	[sflag:s0] =	ssyncadd.tile.s32 @!p0 $0x1;
	_ =	shalt  }
.Lfunc_end1:
_tile_overlayer_lowered:
.L_overlay_start_2:
0x75: {  	(tag) =	ssettag $0x2  }
0x76: {  	s0 =	rddreg [dreg:$0x0];
	s2 =	stileid.u32  }
0x77: {  	s1 =	rddreg [dreg:$0x1];
	p0 =	sne.s32 s2, $0x0  }
0x78: {  	s3 =	rddreg [dreg:$0x2];
	[bflag:$0x3] =	sbarrier.arrive $0xFFFF;
	s2 =	simm.s32 @!p0 $0x1C01  }
0x79: {  	[timem:s3], [sflag:s2] =	dma.local @!p0 [hbm:s0], s1  }
0x7a: {  	s0 =	simm.s32 @!p0 $0x1  }
0x7b: {  	_ =	swait.ge @!p0 [sflag:s0], s1  }
0x7c: {  	s1 =	ssub.s32 @!p0 $0x0, s1;
	[sflag:s0] =	ssyncset.done @!p0 $0x0  }
0x7d: {  	[sflag:s0] =	ssyncadd.s32 @!p0 s1  }
0x7e: {  	[bflag:$0x3] =	sbarrier.arrive $0xFFFF  }
0x7f: {  	_ =	shalt  }

</sc_bundles>
